<compile_context>
chip_gen: v7x
topology: tpu7x:2x2x1
jax: 0.10.2.dev20260603
libtpu: 0.0.44.dev20260713+nightly
codegen_flags: <defaults>
</compile_context>

<pallas_src>
import jax
import jax.numpy as jnp
from jax import lax
from jax.experimental import pallas as pl
from jax.experimental.pallas import tpu as pltpu
from jax.experimental.pallas import tpu_sc as plsc

N_NODES = 10000
N_EDGES = 160000
D_FEAT = 256
D_HALF = 128

NS = 16
E_PER = N_EDGES // NS
ROWS_PER = N_NODES // NS
BATCH = 128
NFULL = E_PER // BATCH
TAIL = E_PER - NFULL * BATCH



def _make_segsum(want_deg):
    def body(*refs):
        if want_deg:
            (x0_hbm, x1_hbm, src_hbm, dst_hbm, s_hbm, deg_hbm,
             idx_v, dst_v, rows_v, ones_v, zdeg_v, acc_sh, deg_sh) = refs
        else:
            (x0_hbm, x1_hbm, src_hbm, dst_hbm, s_hbm,
             idx_v, dst_v, rows_v, acc_sh) = refs

        c = lax.axis_index("c")
        s = lax.axis_index("s")
        ebase = s * E_PER
        rbase = s * ROWS_PER

        pltpu.sync_copy(src_hbm.at[pl.ds(ebase, E_PER)], idx_v)
        pltpu.sync_copy(dst_hbm.at[pl.ds(ebase, E_PER)], dst_v)

        zero16 = jnp.zeros((16,), jnp.float32)
        e0 = jnp.where(lax.iota(jnp.int32, 16) == 0, 1.0, 0.0)

        @pl.loop(0, BATCH)
        def _(r):
            @pl.loop(0, D_HALF, step=16)
            def _(k):
                rows_v[r, pl.ds(k, 16)] = zero16
            if want_deg:
                ones_v[r, :] = e0
                zdeg_v[r, :] = zero16

        @pl.loop(0, 5)
        def _(j):
            pltpu.sync_copy(rows_v.at[pl.ds(0, 125)],
                            acc_sh.at[pl.ds(rbase + j * 125, 125)])

        if want_deg:
            @pl.when(c == 0)
            def _():
                @pl.loop(0, 5)
                def _(j):
                    pltpu.sync_copy(zdeg_v.at[pl.ds(0, 125)],
                                    deg_sh.at[pl.ds(rbase + j * 125, 125)])

        plsc.subcore_barrier()

        def do_batch(off, n):
            idx_sl = idx_v.at[pl.ds(off, n)]
            dst_sl = dst_v.at[pl.ds(off, n)]
            rows_sl = rows_v.at[pl.ds(0, n)]

            if want_deg:
                @pl.when(c == 0)
                def _():
                    pltpu.sync_copy(ones_v.at[pl.ds(0, n)],
                                    deg_sh.at[dst_sl], add=True)

            @pl.when(c == 0)
            def _():
                pltpu.sync_copy(x0_hbm.at[idx_sl], rows_sl)

            @pl.when(c == 1)
            def _():
                pltpu.sync_copy(x1_hbm.at[idx_sl], rows_sl)

            pltpu.sync_copy(rows_sl, acc_sh.at[dst_sl], add=True)

        @pl.loop(0, NFULL)
        def _(b):
            do_batch(b * BATCH, BATCH)

        do_batch(NFULL * BATCH, TAIL)

        plsc.subcore_barrier()

        @pl.when(c == 0)
        def _():
            pltpu.sync_copy(acc_sh.at[pl.ds(rbase, ROWS_PER)],
                            s_hbm.at[0, pl.ds(rbase, ROWS_PER)])
            if want_deg:
                pltpu.sync_copy(deg_sh.at[pl.ds(rbase, ROWS_PER)],
                                deg_hbm.at[pl.ds(rbase, ROWS_PER)])

        @pl.when(c == 1)
        def _():
            pltpu.sync_copy(acc_sh.at[pl.ds(rbase, ROWS_PER)],
                            s_hbm.at[1, pl.ds(rbase, ROWS_PER)])

    s_type = jax.ShapeDtypeStruct((2, N_NODES, D_HALF), jnp.float32)
    deg_type = jax.ShapeDtypeStruct((N_NODES, 16), jnp.float32)
    scratch = [
        pltpu.VMEM((E_PER,), jnp.int32),
        pltpu.VMEM((E_PER,), jnp.int32),
        pltpu.VMEM((BATCH, D_HALF), jnp.float32),
    ]
    if want_deg:
        scratch += [
            pltpu.VMEM((BATCH, 16), jnp.float32),
            pltpu.VMEM((BATCH, 16), jnp.float32),
        ]
    scratch += [pltpu.VMEM_SHARED((N_NODES, D_HALF), jnp.float32)]
    if want_deg:
        scratch += [pltpu.VMEM_SHARED((N_NODES, 16), jnp.float32)]

    return pl.kernel(
        body,
        out_type=(s_type, deg_type) if want_deg else s_type,
        mesh=plsc.VectorSubcoreMesh(core_axis_name="c", subcore_axis_name="s"),
        compiler_params=pltpu.CompilerParams(use_tc_tiling_on_sc=False),
        scratch_types=scratch,
    )


_segsum_deg = _make_segsum(True)
_segsum_nodeg = _make_segsum(False)



_R = 2000


def _mm0_body(x_ref, w_ref, y0_ref, y1_ref):
    y = jnp.dot(x_ref[...], w_ref[...], preferred_element_type=jnp.float32)
    y0_ref[...] = y[:, :D_HALF]
    y1_ref[...] = y[:, D_HALF:]


def _mm0(x, w0t):
    return pl.pallas_call(
        _mm0_body,
        grid=(N_NODES // _R,),
        in_specs=[
            pl.BlockSpec((_R, D_FEAT), lambda i: (i, 0)),
            pl.BlockSpec((D_FEAT, D_FEAT), lambda i: (0, 0)),
        ],
        out_specs=[
            pl.BlockSpec((_R, D_HALF), lambda i: (i, 0)),
            pl.BlockSpec((_R, D_HALF), lambda i: (i, 0)),
        ],
        out_shape=[jax.ShapeDtypeStruct((N_NODES, D_HALF), jnp.float32)] * 2,
    )(x, w0t)


def _mm1_body(s_ref, deg_ref, w_ref, y0_ref, y1_ref):
    dinv = 1.0 / jnp.maximum(deg_ref[:, 0:1], 1.0)
    h0 = jnp.maximum(s_ref[0], 0.0) * dinv
    h1 = jnp.maximum(s_ref[1], 0.0) * dinv
    y = (jnp.dot(h0, w_ref[:D_HALF, :], preferred_element_type=jnp.float32)
         + jnp.dot(h1, w_ref[D_HALF:, :], preferred_element_type=jnp.float32))
    y0_ref[...] = y[:, :D_HALF]
    y1_ref[...] = y[:, D_HALF:]


def _mm1(s0, deg, w1t):
    return pl.pallas_call(
        _mm1_body,
        grid=(N_NODES // _R,),
        in_specs=[
            pl.BlockSpec((2, _R, D_HALF), lambda i: (0, i, 0)),
            pl.BlockSpec((_R, 16), lambda i: (i, 0)),
            pl.BlockSpec((D_FEAT, D_FEAT), lambda i: (0, 0)),
        ],
        out_specs=[
            pl.BlockSpec((_R, D_HALF), lambda i: (i, 0)),
            pl.BlockSpec((_R, D_HALF), lambda i: (i, 0)),
        ],
        out_shape=[jax.ShapeDtypeStruct((N_NODES, D_HALF), jnp.float32)] * 2,
    )(s0, deg, w1t)


def _scale_body(s_ref, deg_ref, o_ref):
    dinv = 1.0 / jnp.maximum(deg_ref[:, 0:1], 1.0)
    o_ref[:, :D_HALF] = s_ref[0] * dinv
    o_ref[:, D_HALF:] = s_ref[1] * dinv


def _scale(s1, deg):
    return pl.pallas_call(
        _scale_body,
        grid=(N_NODES // _R,),
        in_specs=[
            pl.BlockSpec((2, _R, D_HALF), lambda i: (0, i, 0)),
            pl.BlockSpec((_R, 16), lambda i: (i, 0)),
        ],
        out_specs=pl.BlockSpec((_R, D_FEAT), lambda i: (i, 0)),
        out_shape=jax.ShapeDtypeStruct((N_NODES, D_FEAT), jnp.float32),
    )(s1, deg)



def kernel(x, edge_index, W0, W1):
    src = edge_index[0].astype(jnp.int32)
    dst = edge_index[1].astype(jnp.int32)
    w0t = W0.T
    w1t = W1.T

    y00, y01 = _mm0(x, w0t)
    s0, deg = _segsum_deg(y00, y01, src, dst)
    y10, y11 = _mm1(s0, deg, w1t)
    s1 = _segsum_nodeg(y10, y11, src, dst)
    return _scale(s1, deg)

# --- scband reference (transcript-rebuilt; emitter-appended) ---
"""Pipeline reference for scband-gcnstack-22522808500494 (READ-ONLY COPY).

The authoritative reference and input builder live on the scoring server;
editing this copy changes nothing except your own understanding.
"""

import jax, jax.numpy as jnp
import numpy as np

N_NODES = 10000
N_EDGES = 160000
D_FEAT = 256
HIDDEN = 256


def setup_inputs(seed: int = 0) -> dict:
    key = jax.random.key(seed)
    k_x, k_e, k_w0, k_w1 = jax.random.split(key, 4)
    x = jax.random.normal(k_x, (N_NODES, D_FEAT), dtype=jnp.float32)
    edge_index = jax.random.randint(k_e, (2, N_EDGES), 0, N_NODES, dtype=jnp.int64)
    # nn.Linear(in, out, bias=False) weights, PyTorch layout [out, in]
    W0 = jax.random.normal(k_w0, (HIDDEN, D_FEAT), dtype=jnp.float32) * (1.0 / np.sqrt(D_FEAT))
    W1 = jax.random.normal(k_w1, (HIDDEN, HIDDEN), dtype=jnp.float32) * (1.0 / np.sqrt(HIDDEN))
    return {"x": x, "edge_index": edge_index, "W0": W0, "W1": W1}


def reference(x, edge_index, W0, W1):
    src = edge_index[0]
    dst = edge_index[1]
    n = x.shape[0]
    # _gcn_norm: unit edge weights, degree = scatter-sum of weights at dst, clamp_min(1.0)
    weights = jnp.ones((edge_index.shape[1],), dtype=jnp.float32)
    deg = jax.ops.segment_sum(weights, dst, num_segments=n)
    deg = jnp.clip(deg, 1.0, None)
    norm = (weights / deg[dst])[:, None]

    def message_pass(h):
        m = h[src] * norm  # u_mul_e
        return jax.ops.segment_sum(m, dst, num_segments=n)  # fn.sum at dst

    # Layer 0: message pass -> linear -> relu
    h = message_pass(x)
    h = h @ W0.T
    h = jax.nn.relu(h)
    # Layer 1 (last): message pass -> linear (no relu)
    h = message_pass(h)
    h = h @ W1.T
    return h

if __name__ == "__main__":
    import jax
    _d = setup_inputs()
    print(jax.jit(kernel)(*tuple(_d.values())))

</pallas_src>

<mosaic_0001>
#map = affine_map<(d0, d1) -> (0, 0)>
#map1 = affine_map<(d0, d1) -> (0)>
#map2 = affine_map<(d0, d1) -> (0, 0, 0)>
module attributes {stable_mosaic.version = 14 : i64} {
  func.func @body(%arg0: i32, %arg1: i32, %arg2: memref<10000x128xf32, #tpu.memory_space<hbm>>, %arg3: memref<10000x128xf32, #tpu.memory_space<hbm>>, %arg4: memref<160000xi32, #tpu.memory_space<hbm>>, %arg5: memref<160000xi32, #tpu.memory_space<hbm>>, %arg6: memref<2x10000x128xf32, #tpu.memory_space<hbm>>, %arg7: memref<10000xi32, #tpu.memory_space<vmem>>, %arg8: memref<10000xi32, #tpu.memory_space<vmem>>, %arg9: memref<128x128xf32, #tpu.memory_space<vmem>>, %arg10: memref<10000x128xf32, #tpu.memory_space<vmem_shared>>) attributes {dimension_semantics = [#tpu.dimension_semantics<core_parallel>, #tpu.dimension_semantics<subcore_parallel>], iteration_bounds = array<i64: 2, 16>, scalar_prefetch = 0 : i64, scratch_operands = 4 : i64, tpu.core_type = #tpu.core_type<sc_vector_subcore>, window_params = [{transform_indices = #map}, {transform_indices = #map}, {transform_indices = #map1}, {transform_indices = #map1}, {transform_indices = #map2}]} {
    %mul3A = arith.constant 10000 : i32
    %mul3A_0 = arith.muli %arg1, %mul3A : i32
    %mul3A_1 = arith.constant 625 : i32
    %mul3A_2 = arith.muli %arg1, %mul3A_1 : i32
    "tpu.region"() ({
      %run_scoped3A = tpu.sem_alloc : memref<!tpu.dma_semaphore, #tpu.memory_space<semaphore_mem>>
      %dma_start3A = tpu.memref_slice %arg4[%mul3A_0] : memref<160000xi32, #tpu.memory_space<hbm>> -> memref<10000xi32, #tpu.memory_space<hbm>>
      %dma_start3A_42 = tpu.memref_slice %arg4[%mul3A_0] : memref<160000xi32, #tpu.memory_space<hbm>> -> memref<10000xi32, #tpu.memory_space<hbm>>
      tpu.enqueue_dma source(%dma_start3A_42 : memref<10000xi32, #tpu.memory_space<hbm>>) target(%arg7 : memref<10000xi32, #tpu.memory_space<vmem>>) target_semaphore(%run_scoped3A : memref<!tpu.dma_semaphore, #tpu.memory_space<semaphore_mem>>)
      %dma_wait3A = tpu.memref_slice %arg4[%mul3A_0] : memref<160000xi32, #tpu.memory_space<hbm>> -> memref<10000xi32, #tpu.memory_space<hbm>>
      %dma_wait3A_43 = tpu.memref_slice %arg4[%mul3A_0] : memref<160000xi32, #tpu.memory_space<hbm>> -> memref<10000xi32, #tpu.memory_space<hbm>>
      tpu.wait_dma2 semaphore(%run_scoped3A : memref<!tpu.dma_semaphore, #tpu.memory_space<semaphore_mem>>) src(%dma_wait3A_43 : memref<10000xi32, #tpu.memory_space<hbm>>) dst(%arg7 : memref<10000xi32, #tpu.memory_space<vmem>>)
      tpu.yield
    }) : () -> ()
    "tpu.region"() ({
      %run_scoped3A = tpu.sem_alloc : memref<!tpu.dma_semaphore, #tpu.memory_space<semaphore_mem>>
      %dma_start3A = tpu.memref_slice %arg5[%mul3A_0] : memref<160000xi32, #tpu.memory_space<hbm>> -> memref<10000xi32, #tpu.memory_space<hbm>>
      %dma_start3A_42 = tpu.memref_slice %arg5[%mul3A_0] : memref<160000xi32, #tpu.memory_space<hbm>> -> memref<10000xi32, #tpu.memory_space<hbm>>
      tpu.enqueue_dma source(%dma_start3A_42 : memref<10000xi32, #tpu.memory_space<hbm>>) target(%arg8 : memref<10000xi32, #tpu.memory_space<vmem>>) target_semaphore(%run_scoped3A : memref<!tpu.dma_semaphore, #tpu.memory_space<semaphore_mem>>)
      %dma_wait3A = tpu.memref_slice %arg5[%mul3A_0] : memref<160000xi32, #tpu.memory_space<hbm>> -> memref<10000xi32, #tpu.memory_space<hbm>>
      %dma_wait3A_43 = tpu.memref_slice %arg5[%mul3A_0] : memref<160000xi32, #tpu.memory_space<hbm>> -> memref<10000xi32, #tpu.memory_space<hbm>>
      tpu.wait_dma2 semaphore(%run_scoped3A : memref<!tpu.dma_semaphore, #tpu.memory_space<semaphore_mem>>) src(%dma_wait3A_43 : memref<10000xi32, #tpu.memory_space<hbm>>) dst(%arg8 : memref<10000xi32, #tpu.memory_space<vmem>>)
      tpu.yield
    }) : () -> ()
    %broadcast_in_dim3A = arith.constant 0.000000e+00 : f32
    %broadcast_in_dim3A_3 = vector.broadcast %broadcast_in_dim3A : f32 to vector<16xf32>
    %iota3A = tpu.iota {dimensions = array<i32: 0>} : vector<16xi32>
    %eq3A = arith.constant 0 : i32
    %eq3A_4 = vector.broadcast %eq3A : i32 to vector<16xi32>
    %eq3A_5 = arith.cmpi eq, %iota3A, %eq3A_4 : vector<16xi32>
    %jit3A = arith.constant 1.000000e+00 : f32
    %jit3A_6 = arith.constant 0.000000e+00 : f32
    %broadcast_in_dim3A_7 = vector.broadcast %jit3A : f32 to vector<16xf32>
    %broadcast_in_dim3A_8 = vector.broadcast %jit3A_6 : f32 to vector<16xf32>
    %select_n3A = arith.select %eq3A_5, %broadcast_in_dim3A_7, %broadcast_in_dim3A_8 : vector<16xi1>, vector<16xf32>
    %scan3A = arith.constant 0 : i32
    %scan3A_9 = arith.constant 128 : i32
    %scan3A_10 = arith.addi %scan3A, %scan3A_9 : i32
    %scan3A_11 = arith.constant 1 : i32
    scf.for %scan3A_42 = %scan3A to %scan3A_10 step %scan3A_11  : i32 {
      %mul3A_43 = arith.constant 1 : i32
      %mul3A_44 = arith.muli %scan3A_42, %mul3A_43 : i32
      %add3A = arith.constant 0 : i32
      %add3A_45 = arith.addi %add3A, %mul3A_44 : i32
      %scan3A_46 = arith.constant 0 : i32
      %scan3A_47 = arith.constant 8 : i32
      %scan3A_48 = arith.addi %scan3A_46, %scan3A_47 : i32
      %scan3A_49 = arith.constant 1 : i32
      scf.for %scan3A_51 = %scan3A_46 to %scan3A_48 step %scan3A_49  : i32 {
        %mul3A_52 = arith.constant 16 : i32
        %mul3A_53 = arith.muli %scan3A_51, %mul3A_52 : i32
        %add3A_54 = arith.constant 0 : i32
        %add3A_55 = arith.addi %add3A_54, %mul3A_53 : i32
        %swap3A = arith.index_cast %add3A_45 : i32 to index
        %swap3A_56 = arith.index_cast %add3A_55 : i32 to index
        %swap3A_57 = tpu.vector_load %arg9[%swap3A, %swap3A_56] {strides = array<i32>} : memref<128x128xf32, #tpu.memory_space<vmem>>, vector<1x16xf32>,
        %swap3A_58 = vector.shape_cast %swap3A_57 : vector<1x16xf32> to vector<16xf32>
        %swap3A_59 = vector.shape_cast %broadcast_in_dim3A_3 : vector<16xf32> to vector<1x16xf32>
        tpu.vector_store %arg9[%swap3A, %swap3A_56], %swap3A_59 {strides = array<i32>} : memref<128x128xf32, #tpu.memory_space<vmem>>, vector<1x16xf32>,
      }
      %scan3A_50 = arith.constant 8 : i32
    }
    %scan3A_12 = arith.constant 128 : i32
    %scan3A_13 = arith.constant 0 : i32
    %scan3A_14 = arith.constant 5 : i32
    %scan3A_15 = arith.addi %scan3A_13, %scan3A_14 : i32
    %scan3A_16 = arith.constant 1 : i32
    scf.for %scan3A_42 = %scan3A_13 to %scan3A_15 step %scan3A_16  : i32 {
      %mul3A_43 = arith.constant 1 : i32
      %mul3A_44 = arith.muli %scan3A_42, %mul3A_43 : i32
      %add3A = arith.constant 0 : i32
      %add3A_45 = arith.addi %add3A, %mul3A_44 : i32
      %mul3A_46 = arith.constant 125 : i32
      %mul3A_47 = arith.muli %add3A_45, %mul3A_46 : i32
      %add3A_48 = arith.addi %mul3A_2, %mul3A_47 : i32
      "tpu.region"() ({
        %run_scoped3A = tpu.sem_alloc : memref<!tpu.dma_semaphore, #tpu.memory_space<semaphore_mem>>
        %dma_start3A = arith.constant 0 : i32
        %dma_start3A_49 = arith.constant 0 : i32
        %dma_start3A_50 = tpu.memref_slice %arg9[%dma_start3A, %dma_start3A_49] : memref<128x128xf32, #tpu.memory_space<vmem>> -> memref<125x128xf32, #tpu.memory_space<vmem>>
        %dma_start3A_51 = arith.constant 0 : i32
        %dma_start3A_52 = tpu.memref_slice %arg10[%add3A_48, %dma_start3A_51] : memref<10000x128xf32, #tpu.memory_space<vmem_shared>> -> memref<125x128xf32, #tpu.memory_space<vmem_shared>>
        %dma_start3A_53 = arith.constant 0 : i32
        %dma_start3A_54 = tpu.memref_slice %arg10[%add3A_48, %dma_start3A_53] : memref<10000x128xf32, #tpu.memory_space<vmem_shared>> -> memref<125x128xf32, #tpu.memory_space<vmem_shared>>
        %dma_start3A_55 = arith.constant 0 : i32
        %dma_start3A_56 = arith.constant 0 : i32
        %dma_start3A_57 = tpu.memref_slice %arg9[%dma_start3A_55, %dma_start3A_56] : memref<128x128xf32, #tpu.memory_space<vmem>> -> memref<125x128xf32, #tpu.memory_space<vmem>>
        tpu.enqueue_dma source(%dma_start3A_57 : memref<125x128xf32, #tpu.memory_space<vmem>>) target(%dma_start3A_54 : memref<125x128xf32, #tpu.memory_space<vmem_shared>>) target_semaphore(%run_scoped3A : memref<!tpu.dma_semaphore, #tpu.memory_space<semaphore_mem>>)
        %dma_wait3A = arith.constant 0 : i32
        %dma_wait3A_58 = arith.constant 0 : i32
        %dma_wait3A_59 = tpu.memref_slice %arg9[%dma_wait3A, %dma_wait3A_58] : memref<128x128xf32, #tpu.memory_space<vmem>> -> memref<125x128xf32, #tpu.memory_space<vmem>>
        %dma_wait3A_60 = arith.constant 0 : i32
        %dma_wait3A_61 = tpu.memref_slice %arg10[%add3A_48, %dma_wait3A_60] : memref<10000x128xf32, #tpu.memory_space<vmem_shared>> -> memref<125x128xf32, #tpu.memory_space<vmem_shared>>
        %dma_wait3A_62 = arith.constant 0 : i32
        %dma_wait3A_63 = tpu.memref_slice %arg10[%add3A_48, %dma_wait3A_62] : memref<10000x128xf32, #tpu.memory_space<vmem_shared>> -> memref<125x128xf32, #tpu.memory_space<vmem_shared>>
        %dma_wait3A_64 = arith.constant 0 : i32
        %dma_wait3A_65 = arith.constant 0 : i32
        %dma_wait3A_66 = tpu.memref_slice %arg9[%dma_wait3A_64, %dma_wait3A_65] : memref<128x128xf32, #tpu.memory_space<vmem>> -> memref<125x128xf32, #tpu.memory_space<vmem>>
        tpu.wait_dma2 semaphore(%run_scoped3A : memref<!tpu.dma_semaphore, #tpu.memory_space<semaphore_mem>>) src(%dma_wait3A_66 : memref<125x128xf32, #tpu.memory_space<vmem>>) dst(%dma_wait3A_63 : memref<125x128xf32, #tpu.memory_space<vmem_shared>>)
        tpu.yield
      }) : () -> ()
    }
    %scan3A_17 = arith.constant 5 : i32
    %barrier3A = arith.constant 0 : index
    tpu.barrier barrier_id(%barrier3A)
    %scan3A_18 = arith.constant 0 : i32
    %scan3A_19 = arith.constant 78 : i32
    %scan3A_20 = arith.addi %scan3A_18, %scan3A_19 : i32
    %scan3A_21 = arith.constant 1 : i32
    scf.for %scan3A_42 = %scan3A_18 to %scan3A_20 step %scan3A_21  : i32 {
      %mul3A_43 = arith.constant 1 : i32
      %mul3A_44 = arith.muli %scan3A_42, %mul3A_43 : i32
      %add3A = arith.constant 0 : i32
      %add3A_45 = arith.addi %add3A, %mul3A_44 : i32
      %mul3A_46 = arith.constant 128 : i32
      %mul3A_47 = arith.muli %add3A_45, %mul3A_46 : i32
      %eq3A_48 = arith.constant 0 : i32
      %eq3A_49 = arith.cmpi eq, %arg0, %eq3A_48 : i32
      %convert_element_type3A_50 = arith.extui %eq3A_49 : i1 to i32
      %cond3A_51 = arith.constant 0 : i32
      %cond3A_52 = arith.cmpi ne, %convert_element_type3A_50, %cond3A_51 : i32
      scf.if %cond3A_52 {
        "tpu.region"() ({
          %run_scoped3A = tpu.sem_alloc : memref<!tpu.dma_semaphore, #tpu.memory_space<semaphore_mem>>
          %dma_start3A = arith.constant 0 : i32
          %dma_start3A_58 = arith.constant 0 : i32
          %dma_start3A_59 = tpu.memref_slice %arg9[%dma_start3A, %dma_start3A_58] : memref<128x128xf32, #tpu.memory_space<vmem>> -> memref<128x128xf32, #tpu.memory_space<vmem>>
          %dma_start3A_60 = tpu.memref_slice %arg7[%mul3A_47] : memref<10000xi32, #tpu.memory_space<vmem>> -> memref<128xi32, #tpu.memory_space<vmem>>
          %dma_start3A_61 = arith.constant 0 : i32
          %dma_start3A_62 = arith.constant 0 : i32
          %dma_start3A_63 = tpu.memref_slice %arg2[%dma_start3A_61, %dma_start3A_62] : memref<10000x128xf32, #tpu.memory_space<hbm>> -> memref<10000x128xf32, #tpu.memory_space<hbm>>
          tpu.enqueue_indirect_dma source(%dma_start3A_63 : memref<10000x128xf32, #tpu.memory_space<hbm>>) target(%dma_start3A_59 : memref<128x128xf32, #tpu.memory_space<vmem>>) offsets(%dma_start3A_60 : memref<128xi32, #tpu.memory_space<vmem>>) semaphore(%run_scoped3A : memref<!tpu.dma_semaphore, #tpu.memory_space<semaphore_mem>>)
          %dma_wait3A = arith.constant 0 : i32
          %dma_wait3A_64 = arith.constant 0 : i32
          %dma_wait3A_65 = tpu.memref_slice %arg9[%dma_wait3A, %dma_wait3A_64] : memref<128x128xf32, #tpu.memory_space<vmem>> -> memref<128x128xf32, #tpu.memory_space<vmem>>
          %dma_wait3A_66 = tpu.memref_slice %arg7[%mul3A_47] : memref<10000xi32, #tpu.memory_space<vmem>> -> memref<128xi32, #tpu.memory_space<vmem>>
          %dma_wait3A_67 = arith.constant 0 : i32
          %dma_wait3A_68 = arith.constant 0 : i32
          %dma_wait3A_69 = tpu.memref_slice %arg2[%dma_wait3A_67, %dma_wait3A_68] : memref<10000x128xf32, #tpu.memory_space<hbm>> -> memref<10000x128xf32, #tpu.memory_space<hbm>>
          tpu.wait_indirect_dma semaphore(%run_scoped3A : memref<!tpu.dma_semaphore, #tpu.memory_space<semaphore_mem>>) src(%dma_wait3A_69 : memref<10000x128xf32, #tpu.memory_space<hbm>>) dst(%dma_wait3A_65 : memref<128x128xf32, #tpu.memory_space<vmem>>)
          tpu.yield
        }) : () -> ()
      } else {
      }
      %eq3A_53 = arith.constant 1 : i32
      %eq3A_54 = arith.cmpi eq, %arg0, %eq3A_53 : i32
      %convert_element_type3A_55 = arith.extui %eq3A_54 : i1 to i32
      %cond3A_56 = arith.constant 0 : i32
      %cond3A_57 = arith.cmpi ne, %convert_element_type3A_55, %cond3A_56 : i32
      scf.if %cond3A_57 {
        "tpu.region"() ({
          %run_scoped3A = tpu.sem_alloc : memref<!tpu.dma_semaphore, #tpu.memory_space<semaphore_mem>>
          %dma_start3A = arith.constant 0 : i32
          %dma_start3A_58 = arith.constant 0 : i32
          %dma_start3A_59 = tpu.memref_slice %arg9[%dma_start3A, %dma_start3A_58] : memref<128x128xf32, #tpu.memory_space<vmem>> -> memref<128x128xf32, #tpu.memory_space<vmem>>
          %dma_start3A_60 = tpu.memref_slice %arg7[%mul3A_47] : memref<10000xi32, #tpu.memory_space<vmem>> -> memref<128xi32, #tpu.memory_space<vmem>>
          %dma_start3A_61 = arith.constant 0 : i32
          %dma_start3A_62 = arith.constant 0 : i32
          %dma_start3A_63 = tpu.memref_slice %arg3[%dma_start3A_61, %dma_start3A_62] : memref<10000x128xf32, #tpu.memory_space<hbm>> -> memref<10000x128xf32, #tpu.memory_space<hbm>>
          tpu.enqueue_indirect_dma source(%dma_start3A_63 : memref<10000x128xf32, #tpu.memory_space<hbm>>) target(%dma_start3A_59 : memref<128x128xf32, #tpu.memory_space<vmem>>) offsets(%dma_start3A_60 : memref<128xi32, #tpu.memory_space<vmem>>) semaphore(%run_scoped3A : memref<!tpu.dma_semaphore, #tpu.memory_space<semaphore_mem>>)
          %dma_wait3A = arith.constant 0 : i32
          %dma_wait3A_64 = arith.constant 0 : i32
          %dma_wait3A_65 = tpu.memref_slice %arg9[%dma_wait3A, %dma_wait3A_64] : memref<128x128xf32, #tpu.memory_space<vmem>> -> memref<128x128xf32, #tpu.memory_space<vmem>>
          %dma_wait3A_66 = tpu.memref_slice %arg7[%mul3A_47] : memref<10000xi32, #tpu.memory_space<vmem>> -> memref<128xi32, #tpu.memory_space<vmem>>
          %dma_wait3A_67 = arith.constant 0 : i32
          %dma_wait3A_68 = arith.constant 0 : i32
          %dma_wait3A_69 = tpu.memref_slice %arg3[%dma_wait3A_67, %dma_wait3A_68] : memref<10000x128xf32, #tpu.memory_space<hbm>> -> memref<10000x128xf32, #tpu.memory_space<hbm>>
          tpu.wait_indirect_dma semaphore(%run_scoped3A : memref<!tpu.dma_semaphore, #tpu.memory_space<semaphore_mem>>) src(%dma_wait3A_69 : memref<10000x128xf32, #tpu.memory_space<hbm>>) dst(%dma_wait3A_65 : memref<128x128xf32, #tpu.memory_space<vmem>>)
          tpu.yield
        }) : () -> ()
      } else {
      }
      "tpu.region"() ({
        %run_scoped3A = tpu.sem_alloc : memref<!tpu.dma_semaphore, #tpu.memory_space<semaphore_mem>>
        %dma_start3A = arith.constant 0 : i32
        %dma_start3A_58 = arith.constant 0 : i32
        %dma_start3A_59 = tpu.memref_slice %arg9[%dma_start3A, %dma_start3A_58] : memref<128x128xf32, #tpu.memory_space<vmem>> -> memref<128x128xf32, #tpu.memory_space<vmem>>
        %dma_start3A_60 = tpu.memref_slice %arg8[%mul3A_47] : memref<10000xi32, #tpu.memory_space<vmem>> -> memref<128xi32, #tpu.memory_space<vmem>>
        %dma_start3A_61 = arith.constant 0 : i32
        %dma_start3A_62 = arith.constant 0 : i32
        %dma_start3A_63 = tpu.memref_slice %arg10[%dma_start3A_61, %dma_start3A_62] : memref<10000x128xf32, #tpu.memory_space<vmem_shared>> -> memref<10000x128xf32, #tpu.memory_space<vmem_shared>>
        tpu.enqueue_indirect_dma source(%dma_start3A_59 : memref<128x128xf32, #tpu.memory_space<vmem>>) target(%dma_start3A_63 : memref<10000x128xf32, #tpu.memory_space<vmem_shared>>) offsets(%dma_start3A_60 : memref<128xi32, #tpu.memory_space<vmem>>) semaphore(%run_scoped3A : memref<!tpu.dma_semaphore, #tpu.memory_space<semaphore_mem>>) {add = true}
        %dma_wait3A = arith.constant 0 : i32
        %dma_wait3A_64 = arith.constant 0 : i32
        %dma_wait3A_65 = tpu.memref_slice %arg9[%dma_wait3A, %dma_wait3A_64] : memref<128x128xf32, #tpu.memory_space<vmem>> -> memref<128x128xf32, #tpu.memory_space<vmem>>
        %dma_wait3A_66 = tpu.memref_slice %arg8[%mul3A_47] : memref<10000xi32, #tpu.memory_space<vmem>> -> memref<128xi32, #tpu.memory_space<vmem>>
        %dma_wait3A_67 = arith.constant 0 : i32
        %dma_wait3A_68 = arith.constant 0 : i32
        %dma_wait3A_69 = tpu.memref_slice %arg10[%dma_wait3A_67, %dma_wait3A_68] : memref<10000x128xf32, #tpu.memory_space<vmem_shared>> -> memref<10000x128xf32, #tpu.memory_space<vmem_shared>>
        tpu.wait_indirect_dma semaphore(%run_scoped3A : memref<!tpu.dma_semaphore, #tpu.memory_space<semaphore_mem>>) src(%dma_wait3A_65 : memref<128x128xf32, #tpu.memory_space<vmem>>) dst(%dma_wait3A_69 : memref<10000x128xf32, #tpu.memory_space<vmem_shared>>)
        tpu.yield
      }) : () -> ()
    }
    %scan3A_22 = arith.constant 78 : i32
    %eq3A_23 = arith.constant 0 : i32
    %eq3A_24 = arith.cmpi eq, %arg0, %eq3A_23 : i32
    %convert_element_type3A = arith.extui %eq3A_24 : i1 to i32
    %cond3A = arith.constant 0 : i32
    %cond3A_25 = arith.cmpi ne, %convert_element_type3A, %cond3A : i32
    scf.if %cond3A_25 {
      "tpu.region"() ({
        %run_scoped3A = tpu.sem_alloc : memref<!tpu.dma_semaphore, #tpu.memory_space<semaphore_mem>>
        %dma_start3A = arith.constant 0 : i32
        %dma_start3A_42 = arith.constant 0 : i32
        %dma_start3A_43 = tpu.memref_slice %arg9[%dma_start3A, %dma_start3A_42] : memref<128x128xf32, #tpu.memory_space<vmem>> -> memref<16x128xf32, #tpu.memory_space<vmem>>
        %dma_start3A_44 = arith.constant 9984 : i32
        %dma_start3A_45 = tpu.memref_slice %arg7[%dma_start3A_44] : memref<10000xi32, #tpu.memory_space<vmem>> -> memref<16xi32, #tpu.memory_space<vmem>>
        %dma_start3A_46 = arith.constant 0 : i32
        %dma_start3A_47 = arith.constant 0 : i32
        %dma_start3A_48 = tpu.memref_slice %arg2[%dma_start3A_46, %dma_start3A_47] : memref<10000x128xf32, #tpu.memory_space<hbm>> -> memref<10000x128xf32, #tpu.memory_space<hbm>>
        tpu.enqueue_indirect_dma source(%dma_start3A_48 : memref<10000x128xf32, #tpu.memory_space<hbm>>) target(%dma_start3A_43 : memref<16x128xf32, #tpu.memory_space<vmem>>) offsets(%dma_start3A_45 : memref<16xi32, #tpu.memory_space<vmem>>) semaphore(%run_scoped3A : memref<!tpu.dma_semaphore, #tpu.memory_space<semaphore_mem>>)
        %dma_wait3A = arith.constant 0 : i32
        %dma_wait3A_49 = arith.constant 0 : i32
        %dma_wait3A_50 = tpu.memref_slice %arg9[%dma_wait3A, %dma_wait3A_49] : memref<128x128xf32, #tpu.memory_space<vmem>> -> memref<16x128xf32, #tpu.memory_space<vmem>>
        %dma_wait3A_51 = arith.constant 9984 : i32
        %dma_wait3A_52 = tpu.memref_slice %arg7[%dma_wait3A_51] : memref<10000xi32, #tpu.memory_space<vmem>> -> memref<16xi32, #tpu.memory_space<vmem>>
        %dma_wait3A_53 = arith.constant 0 : i32
        %dma_wait3A_54 = arith.constant 0 : i32
        %dma_wait3A_55 = tpu.memref_slice %arg2[%dma_wait3A_53, %dma_wait3A_54] : memref<10000x128xf32, #tpu.memory_space<hbm>> -> memref<10000x128xf32, #tpu.memory_space<hbm>>
        tpu.wait_indirect_dma semaphore(%run_scoped3A : memref<!tpu.dma_semaphore, #tpu.memory_space<semaphore_mem>>) src(%dma_wait3A_55 : memref<10000x128xf32, #tpu.memory_space<hbm>>) dst(%dma_wait3A_50 : memref<16x128xf32, #tpu.memory_space<vmem>>)
        tpu.yield
      }) : () -> ()
    } else {
    }
    %eq3A_26 = arith.constant 1 : i32
    %eq3A_27 = arith.cmpi eq, %arg0, %eq3A_26 : i32
    %convert_element_type3A_28 = arith.extui %eq3A_27 : i1 to i32
    %cond3A_29 = arith.constant 0 : i32
    %cond3A_30 = arith.cmpi ne, %convert_element_type3A_28, %cond3A_29 : i32
    scf.if %cond3A_30 {
      "tpu.region"() ({
        %run_scoped3A = tpu.sem_alloc : memref<!tpu.dma_semaphore, #tpu.memory_space<semaphore_mem>>
        %dma_start3A = arith.constant 0 : i32
        %dma_start3A_42 = arith.constant 0 : i32
        %dma_start3A_43 = tpu.memref_slice %arg9[%dma_start3A, %dma_start3A_42] : memref<128x128xf32, #tpu.memory_space<vmem>> -> memref<16x128xf32, #tpu.memory_space<vmem>>
        %dma_start3A_44 = arith.constant 9984 : i32
        %dma_start3A_45 = tpu.memref_slice %arg7[%dma_start3A_44] : memref<10000xi32, #tpu.memory_space<vmem>> -> memref<16xi32, #tpu.memory_space<vmem>>
        %dma_start3A_46 = arith.constant 0 : i32
        %dma_start3A_47 = arith.constant 0 : i32
        %dma_start3A_48 = tpu.memref_slice %arg3[%dma_start3A_46, %dma_start3A_47] : memref<10000x128xf32, #tpu.memory_space<hbm>> -> memref<10000x128xf32, #tpu.memory_space<hbm>>
        tpu.enqueue_indirect_dma source(%dma_start3A_48 : memref<10000x128xf32, #tpu.memory_space<hbm>>) target(%dma_start3A_43 : memref<16x128xf32, #tpu.memory_space<vmem>>) offsets(%dma_start3A_45 : memref<16xi32, #tpu.memory_space<vmem>>) semaphore(%run_scoped3A : memref<!tpu.dma_semaphore, #tpu.memory_space<semaphore_mem>>)
        %dma_wait3A = arith.constant 0 : i32
        %dma_wait3A_49 = arith.constant 0 : i32
        %dma_wait3A_50 = tpu.memref_slice %arg9[%dma_wait3A, %dma_wait3A_49] : memref<128x128xf32, #tpu.memory_space<vmem>> -> memref<16x128xf32, #tpu.memory_space<vmem>>
        %dma_wait3A_51 = arith.constant 9984 : i32
        %dma_wait3A_52 = tpu.memref_slice %arg7[%dma_wait3A_51] : memref<10000xi32, #tpu.memory_space<vmem>> -> memref<16xi32, #tpu.memory_space<vmem>>
        %dma_wait3A_53 = arith.constant 0 : i32
        %dma_wait3A_54 = arith.constant 0 : i32
        %dma_wait3A_55 = tpu.memref_slice %arg3[%dma_wait3A_53, %dma_wait3A_54] : memref<10000x128xf32, #tpu.memory_space<hbm>> -> memref<10000x128xf32, #tpu.memory_space<hbm>>
        tpu.wait_indirect_dma semaphore(%run_scoped3A : memref<!tpu.dma_semaphore, #tpu.memory_space<semaphore_mem>>) src(%dma_wait3A_55 : memref<10000x128xf32, #tpu.memory_space<hbm>>) dst(%dma_wait3A_50 : memref<16x128xf32, #tpu.memory_space<vmem>>)
        tpu.yield
      }) : () -> ()
    } else {
    }
    "tpu.region"() ({
      %run_scoped3A = tpu.sem_alloc : memref<!tpu.dma_semaphore, #tpu.memory_space<semaphore_mem>>
      %dma_start3A = arith.constant 0 : i32
      %dma_start3A_42 = arith.constant 0 : i32
      %dma_start3A_43 = tpu.memref_slice %arg9[%dma_start3A, %dma_start3A_42] : memref<128x128xf32, #tpu.memory_space<vmem>> -> memref<16x128xf32, #tpu.memory_space<vmem>>
      %dma_start3A_44 = arith.constant 9984 : i32
      %dma_start3A_45 = tpu.memref_slice %arg8[%dma_start3A_44] : memref<10000xi32, #tpu.memory_space<vmem>> -> memref<16xi32, #tpu.memory_space<vmem>>
      %dma_start3A_46 = arith.constant 0 : i32
      %dma_start3A_47 = arith.constant 0 : i32
      %dma_start3A_48 = tpu.memref_slice %arg10[%dma_start3A_46, %dma_start3A_47] : memref<10000x128xf32, #tpu.memory_space<vmem_shared>> -> memref<10000x128xf32, #tpu.memory_space<vmem_shared>>
      tpu.enqueue_indirect_dma source(%dma_start3A_43 : memref<16x128xf32, #tpu.memory_space<vmem>>) target(%dma_start3A_48 : memref<10000x128xf32, #tpu.memory_space<vmem_shared>>) offsets(%dma_start3A_45 : memref<16xi32, #tpu.memory_space<vmem>>) semaphore(%run_scoped3A : memref<!tpu.dma_semaphore, #tpu.memory_space<semaphore_mem>>) {add = true}
      %dma_wait3A = arith.constant 0 : i32
      %dma_wait3A_49 = arith.constant 0 : i32
      %dma_wait3A_50 = tpu.memref_slice %arg9[%dma_wait3A, %dma_wait3A_49] : memref<128x128xf32, #tpu.memory_space<vmem>> -> memref<16x128xf32, #tpu.memory_space<vmem>>
      %dma_wait3A_51 = arith.constant 9984 : i32
      %dma_wait3A_52 = tpu.memref_slice %arg8[%dma_wait3A_51] : memref<10000xi32, #tpu.memory_space<vmem>> -> memref<16xi32, #tpu.memory_space<vmem>>
      %dma_wait3A_53 = arith.constant 0 : i32
      %dma_wait3A_54 = arith.constant 0 : i32
      %dma_wait3A_55 = tpu.memref_slice %arg10[%dma_wait3A_53, %dma_wait3A_54] : memref<10000x128xf32, #tpu.memory_space<vmem_shared>> -> memref<10000x128xf32, #tpu.memory_space<vmem_shared>>
      tpu.wait_indirect_dma semaphore(%run_scoped3A : memref<!tpu.dma_semaphore, #tpu.memory_space<semaphore_mem>>) src(%dma_wait3A_50 : memref<16x128xf32, #tpu.memory_space<vmem>>) dst(%dma_wait3A_55 : memref<10000x128xf32, #tpu.memory_space<vmem_shared>>)
      tpu.yield
    }) : () -> ()
    %barrier3A_31 = arith.constant 0 : index
    tpu.barrier barrier_id(%barrier3A_31)
    %eq3A_32 = arith.constant 0 : i32
    %eq3A_33 = arith.cmpi eq, %arg0, %eq3A_32 : i32
    %convert_element_type3A_34 = arith.extui %eq3A_33 : i1 to i32
    %cond3A_35 = arith.constant 0 : i32
    %cond3A_36 = arith.cmpi ne, %convert_element_type3A_34, %cond3A_35 : i32
    scf.if %cond3A_36 {
      %run_scoped3A = arith.constant 0 : i32
      "tpu.region"() ({
        %run_scoped3A_42 = tpu.sem_alloc : memref<!tpu.dma_semaphore, #tpu.memory_space<semaphore_mem>>
        %dma_start3A = arith.constant 0 : i32
        %dma_start3A_43 = tpu.memref_slice %arg6[%run_scoped3A, %mul3A_2, %dma_start3A] : memref<2x10000x128xf32, #tpu.memory_space<hbm>> -> memref<1x625x128xf32, #tpu.memory_space<hbm>>
        %dma_start3A_44 = tpu.memref_squeeze %dma_start3A_43 : memref<1x625x128xf32, #tpu.memory_space<hbm>> -> memref<625x128xf32, #tpu.memory_space<hbm>>
        %dma_start3A_45 = arith.constant 0 : i32
        %dma_start3A_46 = tpu.memref_slice %arg10[%mul3A_2, %dma_start3A_45] : memref<10000x128xf32, #tpu.memory_space<vmem_shared>> -> memref<625x128xf32, #tpu.memory_space<vmem_shared>>
        tpu.enqueue_dma source(%dma_start3A_46 : memref<625x128xf32, #tpu.memory_space<vmem_shared>>) target(%dma_start3A_44 : memref<625x128xf32, #tpu.memory_space<hbm>>) target_semaphore(%run_scoped3A_42 : memref<!tpu.dma_semaphore, #tpu.memory_space<semaphore_mem>>)
        %dma_wait3A = arith.constant 0 : i32
        %dma_wait3A_47 = tpu.memref_slice %arg6[%run_scoped3A, %mul3A_2, %dma_wait3A] : memref<2x10000x128xf32, #tpu.memory_space<hbm>> -> memref<1x625x128xf32, #tpu.memory_space<hbm>>
        %dma_wait3A_48 = tpu.memref_squeeze %dma_wait3A_47 : memref<1x625x128xf32, #tpu.memory_space<hbm>> -> memref<625x128xf32, #tpu.memory_space<hbm>>
        %dma_wait3A_49 = arith.constant 0 : i32
        %dma_wait3A_50 = tpu.memref_slice %arg10[%mul3A_2, %dma_wait3A_49] : memref<10000x128xf32, #tpu.memory_space<vmem_shared>> -> memref<625x128xf32, #tpu.memory_space<vmem_shared>>
        tpu.wait_dma2 semaphore(%run_scoped3A_42 : memref<!tpu.dma_semaphore, #tpu.memory_space<semaphore_mem>>) src(%dma_wait3A_50 : memref<625x128xf32, #tpu.memory_space<vmem_shared>>) dst(%dma_wait3A_48 : memref<625x128xf32, #tpu.memory_space<hbm>>)
        tpu.yield
      }) : () -> ()
    } else {
    }
    %eq3A_37 = arith.constant 1 : i32
    %eq3A_38 = arith.cmpi eq, %arg0, %eq3A_37 : i32
    %convert_element_type3A_39 = arith.extui %eq3A_38 : i1 to i32
    %cond3A_40 = arith.constant 0 : i32
    %cond3A_41 = arith.cmpi ne, %convert_element_type3A_39, %cond3A_40 : i32
    scf.if %cond3A_41 {
      %run_scoped3A = arith.constant 1 : i32
      "tpu.region"() ({
        %run_scoped3A_42 = tpu.sem_alloc : memref<!tpu.dma_semaphore, #tpu.memory_space<semaphore_mem>>
        %dma_start3A = arith.constant 0 : i32
        %dma_start3A_43 = tpu.memref_slice %arg6[%run_scoped3A, %mul3A_2, %dma_start3A] : memref<2x10000x128xf32, #tpu.memory_space<hbm>> -> memref<1x625x128xf32, #tpu.memory_space<hbm>>
        %dma_start3A_44 = tpu.memref_squeeze %dma_start3A_43 : memref<1x625x128xf32, #tpu.memory_space<hbm>> -> memref<625x128xf32, #tpu.memory_space<hbm>>
        %dma_start3A_45 = arith.constant 0 : i32
        %dma_start3A_46 = tpu.memref_slice %arg10[%mul3A_2, %dma_start3A_45] : memref<10000x128xf32, #tpu.memory_space<vmem_shared>> -> memref<625x128xf32, #tpu.memory_space<vmem_shared>>
        tpu.enqueue_dma source(%dma_start3A_46 : memref<625x128xf32, #tpu.memory_space<vmem_shared>>) target(%dma_start3A_44 : memref<625x128xf32, #tpu.memory_space<hbm>>) target_semaphore(%run_scoped3A_42 : memref<!tpu.dma_semaphore, #tpu.memory_space<semaphore_mem>>)
        %dma_wait3A = arith.constant 0 : i32
        %dma_wait3A_47 = tpu.memref_slice %arg6[%run_scoped3A, %mul3A_2, %dma_wait3A] : memref<2x10000x128xf32, #tpu.memory_space<hbm>> -> memref<1x625x128xf32, #tpu.memory_space<hbm>>
        %dma_wait3A_48 = tpu.memref_squeeze %dma_wait3A_47 : memref<1x625x128xf32, #tpu.memory_space<hbm>> -> memref<625x128xf32, #tpu.memory_space<hbm>>
        %dma_wait3A_49 = arith.constant 0 : i32
        %dma_wait3A_50 = tpu.memref_slice %arg10[%mul3A_2, %dma_wait3A_49] : memref<10000x128xf32, #tpu.memory_space<vmem_shared>> -> memref<625x128xf32, #tpu.memory_space<vmem_shared>>
        tpu.wait_dma2 semaphore(%run_scoped3A_42 : memref<!tpu.dma_semaphore, #tpu.memory_space<semaphore_mem>>) src(%dma_wait3A_50 : memref<625x128xf32, #tpu.memory_space<vmem_shared>>) dst(%dma_wait3A_48 : memref<625x128xf32, #tpu.memory_space<hbm>>)
        tpu.yield
      }) : () -> ()
    } else {
    }
    return
  }
}

#map = affine_map<(d0, d1) -> (0, 0)>
#map1 = affine_map<(d0, d1) -> (0)>
#map2 = affine_map<(d0, d1) -> (0, 0, 0)>
module attributes {stable_mosaic.version = 14 : i64} {
  func.func @body(%arg0: i32, %arg1: i32, %arg2: memref<10000x128xf32, #tpu.memory_space<hbm>>, %arg3: memref<10000x128xf32, #tpu.memory_space<hbm>>, %arg4: memref<160000xi32, #tpu.memory_space<hbm>>, %arg5: memref<160000xi32, #tpu.memory_space<hbm>>, %arg6: memref<2x10000x128xf32, #tpu.memory_space<hbm>>, %arg7: memref<10000x16xf32, #tpu.memory_space<hbm>>, %arg8: memref<10000xi32, #tpu.memory_space<vmem>>, %arg9: memref<10000xi32, #tpu.memory_space<vmem>>, %arg10: memref<128x128xf32, #tpu.memory_space<vmem>>, %arg11: memref<128x16xf32, #tpu.memory_space<vmem>>, %arg12: memref<128x16xf32, #tpu.memory_space<vmem>>, %arg13: memref<10000x128xf32, #tpu.memory_space<vmem_shared>>, %arg14: memref<10000x16xf32, #tpu.memory_space<vmem_shared>>) attributes {dimension_semantics = [#tpu.dimension_semantics<core_parallel>, #tpu.dimension_semantics<subcore_parallel>], iteration_bounds = array<i64: 2, 16>, scalar_prefetch = 0 : i64, scratch_operands = 7 : i64, tpu.core_type = #tpu.core_type<sc_vector_subcore>, window_params = [{transform_indices = #map}, {transform_indices = #map}, {transform_indices = #map1}, {transform_indices = #map1}, {transform_indices = #map2}, {transform_indices = #map}]} {
    %mul3A = arith.constant 10000 : i32
    %mul3A_0 = arith.muli %arg1, %mul3A : i32
    %mul3A_1 = arith.constant 625 : i32
    %mul3A_2 = arith.muli %arg1, %mul3A_1 : i32
    "tpu.region"() ({
      %run_scoped3A = tpu.sem_alloc : memref<!tpu.dma_semaphore, #tpu.memory_space<semaphore_mem>>
      %dma_start3A = tpu.memref_slice %arg4[%mul3A_0] : memref<160000xi32, #tpu.memory_space<hbm>> -> memref<10000xi32, #tpu.memory_space<hbm>>
      %dma_start3A_52 = tpu.memref_slice %arg4[%mul3A_0] : memref<160000xi32, #tpu.memory_space<hbm>> -> memref<10000xi32, #tpu.memory_space<hbm>>
      tpu.enqueue_dma source(%dma_start3A_52 : memref<10000xi32, #tpu.memory_space<hbm>>) target(%arg8 : memref<10000xi32, #tpu.memory_space<vmem>>) target_semaphore(%run_scoped3A : memref<!tpu.dma_semaphore, #tpu.memory_space<semaphore_mem>>)
      %dma_wait3A = tpu.memref_slice %arg4[%mul3A_0] : memref<160000xi32, #tpu.memory_space<hbm>> -> memref<10000xi32, #tpu.memory_space<hbm>>
      %dma_wait3A_53 = tpu.memref_slice %arg4[%mul3A_0] : memref<160000xi32, #tpu.memory_space<hbm>> -> memref<10000xi32, #tpu.memory_space<hbm>>
      tpu.wait_dma2 semaphore(%run_scoped3A : memref<!tpu.dma_semaphore, #tpu.memory_space<semaphore_mem>>) src(%dma_wait3A_53 : memref<10000xi32, #tpu.memory_space<hbm>>) dst(%arg8 : memref<10000xi32, #tpu.memory_space<vmem>>)
      tpu.yield
    }) : () -> ()
    "tpu.region"() ({
      %run_scoped3A = tpu.sem_alloc : memref<!tpu.dma_semaphore, #tpu.memory_space<semaphore_mem>>
      %dma_start3A = tpu.memref_slice %arg5[%mul3A_0] : memref<160000xi32, #tpu.memory_space<hbm>> -> memref<10000xi32, #tpu.memory_space<hbm>>
      %dma_start3A_52 = tpu.memref_slice %arg5[%mul3A_0] : memref<160000xi32, #tpu.memory_space<hbm>> -> memref<10000xi32, #tpu.memory_space<hbm>>
      tpu.enqueue_dma source(%dma_start3A_52 : memref<10000xi32, #tpu.memory_space<hbm>>) target(%arg9 : memref<10000xi32, #tpu.memory_space<vmem>>) target_semaphore(%run_scoped3A : memref<!tpu.dma_semaphore, #tpu.memory_space<semaphore_mem>>)
      %dma_wait3A = tpu.memref_slice %arg5[%mul3A_0] : memref<160000xi32, #tpu.memory_space<hbm>> -> memref<10000xi32, #tpu.memory_space<hbm>>
      %dma_wait3A_53 = tpu.memref_slice %arg5[%mul3A_0] : memref<160000xi32, #tpu.memory_space<hbm>> -> memref<10000xi32, #tpu.memory_space<hbm>>
      tpu.wait_dma2 semaphore(%run_scoped3A : memref<!tpu.dma_semaphore, #tpu.memory_space<semaphore_mem>>) src(%dma_wait3A_53 : memref<10000xi32, #tpu.memory_space<hbm>>) dst(%arg9 : memref<10000xi32, #tpu.memory_space<vmem>>)
      tpu.yield
    }) : () -> ()
    %broadcast_in_dim3A = arith.constant 0.000000e+00 : f32
    %broadcast_in_dim3A_3 = vector.broadcast %broadcast_in_dim3A : f32 to vector<16xf32>
    %iota3A = tpu.iota {dimensions = array<i32: 0>} : vector<16xi32>
    %eq3A = arith.constant 0 : i32
    %eq3A_4 = vector.broadcast %eq3A : i32 to vector<16xi32>
    %eq3A_5 = arith.cmpi eq, %iota3A, %eq3A_4 : vector<16xi32>
    %jit3A = arith.constant 1.000000e+00 : f32
    %jit3A_6 = arith.constant 0.000000e+00 : f32
    %broadcast_in_dim3A_7 = vector.broadcast %jit3A : f32 to vector<16xf32>
    %broadcast_in_dim3A_8 = vector.broadcast %jit3A_6 : f32 to vector<16xf32>
    %select_n3A = arith.select %eq3A_5, %broadcast_in_dim3A_7, %broadcast_in_dim3A_8 : vector<16xi1>, vector<16xf32>
    %scan3A = arith.constant 0 : i32
    %scan3A_9 = arith.constant 128 : i32
    %scan3A_10 = arith.addi %scan3A, %scan3A_9 : i32
    %scan3A_11 = arith.constant 1 : i32
    scf.for %scan3A_52 = %scan3A to %scan3A_10 step %scan3A_11  : i32 {
      %mul3A_53 = arith.constant 1 : i32
      %mul3A_54 = arith.muli %scan3A_52, %mul3A_53 : i32
      %add3A = arith.constant 0 : i32
      %add3A_55 = arith.addi %add3A, %mul3A_54 : i32
      %scan3A_56 = arith.constant 0 : i32
      %scan3A_57 = arith.constant 8 : i32
      %scan3A_58 = arith.addi %scan3A_56, %scan3A_57 : i32
      %scan3A_59 = arith.constant 1 : i32
      scf.for %scan3A_70 = %scan3A_56 to %scan3A_58 step %scan3A_59  : i32 {
        %mul3A_71 = arith.constant 16 : i32
        %mul3A_72 = arith.muli %scan3A_70, %mul3A_71 : i32
        %add3A_73 = arith.constant 0 : i32
        %add3A_74 = arith.addi %add3A_73, %mul3A_72 : i32
        %swap3A_75 = arith.index_cast %add3A_55 : i32 to index
        %swap3A_76 = arith.index_cast %add3A_74 : i32 to index
        %swap3A_77 = tpu.vector_load %arg10[%swap3A_75, %swap3A_76] {strides = array<i32>} : memref<128x128xf32, #tpu.memory_space<vmem>>, vector<1x16xf32>,
        %swap3A_78 = vector.shape_cast %swap3A_77 : vector<1x16xf32> to vector<16xf32>
        %swap3A_79 = vector.shape_cast %broadcast_in_dim3A_3 : vector<16xf32> to vector<1x16xf32>
        tpu.vector_store %arg10[%swap3A_75, %swap3A_76], %swap3A_79 {strides = array<i32>} : memref<128x128xf32, #tpu.memory_space<vmem>>, vector<1x16xf32>,
      }
      %scan3A_60 = arith.constant 8 : i32
      %swap3A = arith.index_cast %add3A_55 : i32 to index
      %swap3A_61 = arith.constant 0 : index
      %swap3A_62 = tpu.vector_load %arg11[%swap3A, %swap3A_61] {strides = array<i32>} : memref<128x16xf32, #tpu.memory_space<vmem>>, vector<1x16xf32>,
      %swap3A_63 = vector.shape_cast %swap3A_62 : vector<1x16xf32> to vector<16xf32>
      %swap3A_64 = vector.shape_cast %select_n3A : vector<16xf32> to vector<1x16xf32>
      tpu.vector_store %arg11[%swap3A, %swap3A_61], %swap3A_64 {strides = array<i32>} : memref<128x16xf32, #tpu.memory_space<vmem>>, vector<1x16xf32>,
      %swap3A_65 = arith.index_cast %add3A_55 : i32 to index
      %swap3A_66 = arith.constant 0 : index
      %swap3A_67 = tpu.vector_load %arg12[%swap3A_65, %swap3A_66] {strides = array<i32>} : memref<128x16xf32, #tpu.memory_space<vmem>>, vector<1x16xf32>,
      %swap3A_68 = vector.shape_cast %swap3A_67 : vector<1x16xf32> to vector<16xf32>
      %swap3A_69 = vector.shape_cast %broadcast_in_dim3A_3 : vector<16xf32> to vector<1x16xf32>
      tpu.vector_store %arg12[%swap3A_65, %swap3A_66], %swap3A_69 {strides = array<i32>} : memref<128x16xf32, #tpu.memory_space<vmem>>, vector<1x16xf32>,
    }
    %scan3A_12 = arith.constant 128 : i32
    %scan3A_13 = arith.constant 0 : i32
    %scan3A_14 = arith.constant 5 : i32
    %scan3A_15 = arith.addi %scan3A_13, %scan3A_14 : i32
    %scan3A_16 = arith.constant 1 : i32
    scf.for %scan3A_52 = %scan3A_13 to %scan3A_15 step %scan3A_16  : i32 {
      %mul3A_53 = arith.constant 1 : i32
      %mul3A_54 = arith.muli %scan3A_52, %mul3A_53 : i32
      %add3A = arith.constant 0 : i32
      %add3A_55 = arith.addi %add3A, %mul3A_54 : i32
      %mul3A_56 = arith.constant 125 : i32
      %mul3A_57 = arith.muli %add3A_55, %mul3A_56 : i32
      %add3A_58 = arith.addi %mul3A_2, %mul3A_57 : i32
      "tpu.region"() ({
        %run_scoped3A = tpu.sem_alloc : memref<!tpu.dma_semaphore, #tpu.memory_space<semaphore_mem>>
        %dma_start3A = arith.constant 0 : i32
        %dma_start3A_59 = arith.constant 0 : i32
        %dma_start3A_60 = tpu.memref_slice %arg10[%dma_start3A, %dma_start3A_59] : memref<128x128xf32, #tpu.memory_space<vmem>> -> memref<125x128xf32, #tpu.memory_space<vmem>>
        %dma_start3A_61 = arith.constant 0 : i32
        %dma_start3A_62 = tpu.memref_slice %arg13[%add3A_58, %dma_start3A_61] : memref<10000x128xf32, #tpu.memory_space<vmem_shared>> -> memref<125x128xf32, #tpu.memory_space<vmem_shared>>
        %dma_start3A_63 = arith.constant 0 : i32
        %dma_start3A_64 = tpu.memref_slice %arg13[%add3A_58, %dma_start3A_63] : memref<10000x128xf32, #tpu.memory_space<vmem_shared>> -> memref<125x128xf32, #tpu.memory_space<vmem_shared>>
        %dma_start3A_65 = arith.constant 0 : i32
        %dma_start3A_66 = arith.constant 0 : i32
        %dma_start3A_67 = tpu.memref_slice %arg10[%dma_start3A_65, %dma_start3A_66] : memref<128x128xf32, #tpu.memory_space<vmem>> -> memref<125x128xf32, #tpu.memory_space<vmem>>
        tpu.enqueue_dma source(%dma_start3A_67 : memref<125x128xf32, #tpu.memory_space<vmem>>) target(%dma_start3A_64 : memref<125x128xf32, #tpu.memory_space<vmem_shared>>) target_semaphore(%run_scoped3A : memref<!tpu.dma_semaphore, #tpu.memory_space<semaphore_mem>>)
        %dma_wait3A = arith.constant 0 : i32
        %dma_wait3A_68 = arith.constant 0 : i32
        %dma_wait3A_69 = tpu.memref_slice %arg10[%dma_wait3A, %dma_wait3A_68] : memref<128x128xf32, #tpu.memory_space<vmem>> -> memref<125x128xf32, #tpu.memory_space<vmem>>
        %dma_wait3A_70 = arith.constant 0 : i32
        %dma_wait3A_71 = tpu.memref_slice %arg13[%add3A_58, %dma_wait3A_70] : memref<10000x128xf32, #tpu.memory_space<vmem_shared>> -> memref<125x128xf32, #tpu.memory_space<vmem_shared>>
        %dma_wait3A_72 = arith.constant 0 : i32
        %dma_wait3A_73 = tpu.memref_slice %arg13[%add3A_58, %dma_wait3A_72] : memref<10000x128xf32, #tpu.memory_space<vmem_shared>> -> memref<125x128xf32, #tpu.memory_space<vmem_shared>>
        %dma_wait3A_74 = arith.constant 0 : i32
        %dma_wait3A_75 = arith.constant 0 : i32
        %dma_wait3A_76 = tpu.memref_slice %arg10[%dma_wait3A_74, %dma_wait3A_75] : memref<128x128xf32, #tpu.memory_space<vmem>> -> memref<125x128xf32, #tpu.memory_space<vmem>>
        tpu.wait_dma2 semaphore(%run_scoped3A : memref<!tpu.dma_semaphore, #tpu.memory_space<semaphore_mem>>) src(%dma_wait3A_76 : memref<125x128xf32, #tpu.memory_space<vmem>>) dst(%dma_wait3A_73 : memref<125x128xf32, #tpu.memory_space<vmem_shared>>)
        tpu.yield
      }) : () -> ()
    }
    %scan3A_17 = arith.constant 5 : i32
    %eq3A_18 = arith.constant 0 : i32
    %eq3A_19 = arith.cmpi eq, %arg0, %eq3A_18 : i32
    %convert_element_type3A = arith.extui %eq3A_19 : i1 to i32
    %cond3A = arith.constant 0 : i32
    %cond3A_20 = arith.cmpi ne, %convert_element_type3A, %cond3A : i32
    scf.if %cond3A_20 {
      %scan3A_52 = arith.constant 0 : i32
      %scan3A_53 = arith.constant 5 : i32
      %scan3A_54 = arith.addi %scan3A_52, %scan3A_53 : i32
      %scan3A_55 = arith.constant 1 : i32
      scf.for %scan3A_57 = %scan3A_52 to %scan3A_54 step %scan3A_55  : i32 {
        %mul3A_58 = arith.constant 1 : i32
        %mul3A_59 = arith.muli %scan3A_57, %mul3A_58 : i32
        %add3A = arith.constant 0 : i32
        %add3A_60 = arith.addi %add3A, %mul3A_59 : i32
        %mul3A_61 = arith.constant 125 : i32
        %mul3A_62 = arith.muli %add3A_60, %mul3A_61 : i32
        %add3A_63 = arith.addi %mul3A_2, %mul3A_62 : i32
        "tpu.region"() ({
          %run_scoped3A = tpu.sem_alloc : memref<!tpu.dma_semaphore, #tpu.memory_space<semaphore_mem>>
          %dma_start3A = arith.constant 0 : i32
          %dma_start3A_64 = arith.constant 0 : i32
          %dma_start3A_65 = tpu.memref_slice %arg12[%dma_start3A, %dma_start3A_64] : memref<128x16xf32, #tpu.memory_space<vmem>> -> memref<125x16xf32, #tpu.memory_space<vmem>>
          %dma_start3A_66 = arith.constant 0 : i32
          %dma_start3A_67 = tpu.memref_slice %arg14[%add3A_63, %dma_start3A_66] : memref<10000x16xf32, #tpu.memory_space<vmem_shared>> -> memref<125x16xf32, #tpu.memory_space<vmem_shared>>
          %dma_start3A_68 = arith.constant 0 : i32
          %dma_start3A_69 = tpu.memref_slice %arg14[%add3A_63, %dma_start3A_68] : memref<10000x16xf32, #tpu.memory_space<vmem_shared>> -> memref<125x16xf32, #tpu.memory_space<vmem_shared>>
          %dma_start3A_70 = arith.constant 0 : i32
          %dma_start3A_71 = arith.constant 0 : i32
          %dma_start3A_72 = tpu.memref_slice %arg12[%dma_start3A_70, %dma_start3A_71] : memref<128x16xf32, #tpu.memory_space<vmem>> -> memref<125x16xf32, #tpu.memory_space<vmem>>
          tpu.enqueue_dma source(%dma_start3A_72 : memref<125x16xf32, #tpu.memory_space<vmem>>) target(%dma_start3A_69 : memref<125x16xf32, #tpu.memory_space<vmem_shared>>) target_semaphore(%run_scoped3A : memref<!tpu.dma_semaphore, #tpu.memory_space<semaphore_mem>>)
          %dma_wait3A = arith.constant 0 : i32
          %dma_wait3A_73 = arith.constant 0 : i32
          %dma_wait3A_74 = tpu.memref_slice %arg12[%dma_wait3A, %dma_wait3A_73] : memref<128x16xf32, #tpu.memory_space<vmem>> -> memref<125x16xf32, #tpu.memory_space<vmem>>
          %dma_wait3A_75 = arith.constant 0 : i32
          %dma_wait3A_76 = tpu.memref_slice %arg14[%add3A_63, %dma_wait3A_75] : memref<10000x16xf32, #tpu.memory_space<vmem_shared>> -> memref<125x16xf32, #tpu.memory_space<vmem_shared>>
          %dma_wait3A_77 = arith.constant 0 : i32
          %dma_wait3A_78 = tpu.memref_slice %arg14[%add3A_63, %dma_wait3A_77] : memref<10000x16xf32, #tpu.memory_space<vmem_shared>> -> memref<125x16xf32, #tpu.memory_space<vmem_shared>>
          %dma_wait3A_79 = arith.constant 0 : i32
          %dma_wait3A_80 = arith.constant 0 : i32
          %dma_wait3A_81 = tpu.memref_slice %arg12[%dma_wait3A_79, %dma_wait3A_80] : memref<128x16xf32, #tpu.memory_space<vmem>> -> memref<125x16xf32, #tpu.memory_space<vmem>>
          tpu.wait_dma2 semaphore(%run_scoped3A : memref<!tpu.dma_semaphore, #tpu.memory_space<semaphore_mem>>) src(%dma_wait3A_81 : memref<125x16xf32, #tpu.memory_space<vmem>>) dst(%dma_wait3A_78 : memref<125x16xf32, #tpu.memory_space<vmem_shared>>)
          tpu.yield
        }) : () -> ()
      }
      %scan3A_56 = arith.constant 5 : i32
    } else {
    }
    %barrier3A = arith.constant 0 : index
    tpu.barrier barrier_id(%barrier3A)
    %scan3A_21 = arith.constant 0 : i32
    %scan3A_22 = arith.constant 78 : i32
    %scan3A_23 = arith.addi %scan3A_21, %scan3A_22 : i32
    %scan3A_24 = arith.constant 1 : i32
    scf.for %scan3A_52 = %scan3A_21 to %scan3A_23 step %scan3A_24  : i32 {
      %mul3A_53 = arith.constant 1 : i32
      %mul3A_54 = arith.muli %scan3A_52, %mul3A_53 : i32
      %add3A = arith.constant 0 : i32
      %add3A_55 = arith.addi %add3A, %mul3A_54 : i32
      %mul3A_56 = arith.constant 128 : i32
      %mul3A_57 = arith.muli %add3A_55, %mul3A_56 : i32
      %eq3A_58 = arith.constant 0 : i32
      %eq3A_59 = arith.cmpi eq, %arg0, %eq3A_58 : i32
      %convert_element_type3A_60 = arith.extui %eq3A_59 : i1 to i32
      %cond3A_61 = arith.constant 0 : i32
      %cond3A_62 = arith.cmpi ne, %convert_element_type3A_60, %cond3A_61 : i32
      scf.if %cond3A_62 {
        "tpu.region"() ({
          %run_scoped3A = tpu.sem_alloc : memref<!tpu.dma_semaphore, #tpu.memory_space<semaphore_mem>>
          %dma_start3A = arith.constant 0 : i32
          %dma_start3A_73 = arith.constant 0 : i32
          %dma_start3A_74 = tpu.memref_slice %arg11[%dma_start3A, %dma_start3A_73] : memref<128x16xf32, #tpu.memory_space<vmem>> -> memref<128x16xf32, #tpu.memory_space<vmem>>
          %dma_start3A_75 = tpu.memref_slice %arg9[%mul3A_57] : memref<10000xi32, #tpu.memory_space<vmem>> -> memref<128xi32, #tpu.memory_space<vmem>>
          %dma_start3A_76 = arith.constant 0 : i32
          %dma_start3A_77 = arith.constant 0 : i32
          %dma_start3A_78 = tpu.memref_slice %arg14[%dma_start3A_76, %dma_start3A_77] : memref<10000x16xf32, #tpu.memory_space<vmem_shared>> -> memref<10000x16xf32, #tpu.memory_space<vmem_shared>>
          tpu.enqueue_indirect_dma source(%dma_start3A_74 : memref<128x16xf32, #tpu.memory_space<vmem>>) target(%dma_start3A_78 : memref<10000x16xf32, #tpu.memory_space<vmem_shared>>) offsets(%dma_start3A_75 : memref<128xi32, #tpu.memory_space<vmem>>) semaphore(%run_scoped3A : memref<!tpu.dma_semaphore, #tpu.memory_space<semaphore_mem>>) {add = true}
          %dma_wait3A = arith.constant 0 : i32
          %dma_wait3A_79 = arith.constant 0 : i32
          %dma_wait3A_80 = tpu.memref_slice %arg11[%dma_wait3A, %dma_wait3A_79] : memref<128x16xf32, #tpu.memory_space<vmem>> -> memref<128x16xf32, #tpu.memory_space<vmem>>
          %dma_wait3A_81 = tpu.memref_slice %arg9[%mul3A_57] : memref<10000xi32, #tpu.memory_space<vmem>> -> memref<128xi32, #tpu.memory_space<vmem>>
          %dma_wait3A_82 = arith.constant 0 : i32
          %dma_wait3A_83 = arith.constant 0 : i32
          %dma_wait3A_84 = tpu.memref_slice %arg14[%dma_wait3A_82, %dma_wait3A_83] : memref<10000x16xf32, #tpu.memory_space<vmem_shared>> -> memref<10000x16xf32, #tpu.memory_space<vmem_shared>>
          tpu.wait_indirect_dma semaphore(%run_scoped3A : memref<!tpu.dma_semaphore, #tpu.memory_space<semaphore_mem>>) src(%dma_wait3A_80 : memref<128x16xf32, #tpu.memory_space<vmem>>) dst(%dma_wait3A_84 : memref<10000x16xf32, #tpu.memory_space<vmem_shared>>)
          tpu.yield
        }) : () -> ()
      } else {
      }
      %eq3A_63 = arith.constant 0 : i32
      %eq3A_64 = arith.cmpi eq, %arg0, %eq3A_63 : i32
      %convert_element_type3A_65 = arith.extui %eq3A_64 : i1 to i32
      %cond3A_66 = arith.constant 0 : i32
      %cond3A_67 = arith.cmpi ne, %convert_element_type3A_65, %cond3A_66 : i32
      scf.if %cond3A_67 {
        "tpu.region"() ({
          %run_scoped3A = tpu.sem_alloc : memref<!tpu.dma_semaphore, #tpu.memory_space<semaphore_mem>>
          %dma_start3A = arith.constant 0 : i32
          %dma_start3A_73 = arith.constant 0 : i32
          %dma_start3A_74 = tpu.memref_slice %arg10[%dma_start3A, %dma_start3A_73] : memref<128x128xf32, #tpu.memory_space<vmem>> -> memref<128x128xf32, #tpu.memory_space<vmem>>
          %dma_start3A_75 = tpu.memref_slice %arg8[%mul3A_57] : memref<10000xi32, #tpu.memory_space<vmem>> -> memref<128xi32, #tpu.memory_space<vmem>>
          %dma_start3A_76 = arith.constant 0 : i32
          %dma_start3A_77 = arith.constant 0 : i32
          %dma_start3A_78 = tpu.memref_slice %arg2[%dma_start3A_76, %dma_start3A_77] : memref<10000x128xf32, #tpu.memory_space<hbm>> -> memref<10000x128xf32, #tpu.memory_space<hbm>>
          tpu.enqueue_indirect_dma source(%dma_start3A_78 : memref<10000x128xf32, #tpu.memory_space<hbm>>) target(%dma_start3A_74 : memref<128x128xf32, #tpu.memory_space<vmem>>) offsets(%dma_start3A_75 : memref<128xi32, #tpu.memory_space<vmem>>) semaphore(%run_scoped3A : memref<!tpu.dma_semaphore, #tpu.memory_space<semaphore_mem>>)
          %dma_wait3A = arith.constant 0 : i32
          %dma_wait3A_79 = arith.constant 0 : i32
          %dma_wait3A_80 = tpu.memref_slice %arg10[%dma_wait3A, %dma_wait3A_79] : memref<128x128xf32, #tpu.memory_space<vmem>> -> memref<128x128xf32, #tpu.memory_space<vmem>>
          %dma_wait3A_81 = tpu.memref_slice %arg8[%mul3A_57] : memref<10000xi32, #tpu.memory_space<vmem>> -> memref<128xi32, #tpu.memory_space<vmem>>
          %dma_wait3A_82 = arith.constant 0 : i32
          %dma_wait3A_83 = arith.constant 0 : i32
          %dma_wait3A_84 = tpu.memref_slice %arg2[%dma_wait3A_82, %dma_wait3A_83] : memref<10000x128xf32, #tpu.memory_space<hbm>> -> memref<10000x128xf32, #tpu.memory_space<hbm>>
          tpu.wait_indirect_dma semaphore(%run_scoped3A : memref<!tpu.dma_semaphore, #tpu.memory_space<semaphore_mem>>) src(%dma_wait3A_84 : memref<10000x128xf32, #tpu.memory_space<hbm>>) dst(%dma_wait3A_80 : memref<128x128xf32, #tpu.memory_space<vmem>>)
          tpu.yield
        }) : () -> ()
      } else {
      }
      %eq3A_68 = arith.constant 1 : i32
      %eq3A_69 = arith.cmpi eq, %arg0, %eq3A_68 : i32
      %convert_element_type3A_70 = arith.extui %eq3A_69 : i1 to i32
      %cond3A_71 = arith.constant 0 : i32
      %cond3A_72 = arith.cmpi ne, %convert_element_type3A_70, %cond3A_71 : i32
      scf.if %cond3A_72 {
        "tpu.region"() ({
          %run_scoped3A = tpu.sem_alloc : memref<!tpu.dma_semaphore, #tpu.memory_space<semaphore_mem>>
          %dma_start3A = arith.constant 0 : i32
          %dma_start3A_73 = arith.constant 0 : i32
          %dma_start3A_74 = tpu.memref_slice %arg10[%dma_start3A, %dma_start3A_73] : memref<128x128xf32, #tpu.memory_space<vmem>> -> memref<128x128xf32, #tpu.memory_space<vmem>>
          %dma_start3A_75 = tpu.memref_slice %arg8[%mul3A_57] : memref<10000xi32, #tpu.memory_space<vmem>> -> memref<128xi32, #tpu.memory_space<vmem>>
          %dma_start3A_76 = arith.constant 0 : i32
          %dma_start3A_77 = arith.constant 0 : i32
          %dma_start3A_78 = tpu.memref_slice %arg3[%dma_start3A_76, %dma_start3A_77] : memref<10000x128xf32, #tpu.memory_space<hbm>> -> memref<10000x128xf32, #tpu.memory_space<hbm>>
          tpu.enqueue_indirect_dma source(%dma_start3A_78 : memref<10000x128xf32, #tpu.memory_space<hbm>>) target(%dma_start3A_74 : memref<128x128xf32, #tpu.memory_space<vmem>>) offsets(%dma_start3A_75 : memref<128xi32, #tpu.memory_space<vmem>>) semaphore(%run_scoped3A : memref<!tpu.dma_semaphore, #tpu.memory_space<semaphore_mem>>)
          %dma_wait3A = arith.constant 0 : i32
          %dma_wait3A_79 = arith.constant 0 : i32
          %dma_wait3A_80 = tpu.memref_slice %arg10[%dma_wait3A, %dma_wait3A_79] : memref<128x128xf32, #tpu.memory_space<vmem>> -> memref<128x128xf32, #tpu.memory_space<vmem>>
          %dma_wait3A_81 = tpu.memref_slice %arg8[%mul3A_57] : memref<10000xi32, #tpu.memory_space<vmem>> -> memref<128xi32, #tpu.memory_space<vmem>>
          %dma_wait3A_82 = arith.constant 0 : i32
          %dma_wait3A_83 = arith.constant 0 : i32
          %dma_wait3A_84 = tpu.memref_slice %arg3[%dma_wait3A_82, %dma_wait3A_83] : memref<10000x128xf32, #tpu.memory_space<hbm>> -> memref<10000x128xf32, #tpu.memory_space<hbm>>
          tpu.wait_indirect_dma semaphore(%run_scoped3A : memref<!tpu.dma_semaphore, #tpu.memory_space<semaphore_mem>>) src(%dma_wait3A_84 : memref<10000x128xf32, #tpu.memory_space<hbm>>) dst(%dma_wait3A_80 : memref<128x128xf32, #tpu.memory_space<vmem>>)
          tpu.yield
        }) : () -> ()
      } else {
      }
      "tpu.region"() ({
        %run_scoped3A = tpu.sem_alloc : memref<!tpu.dma_semaphore, #tpu.memory_space<semaphore_mem>>
        %dma_start3A = arith.constant 0 : i32
        %dma_start3A_73 = arith.constant 0 : i32
        %dma_start3A_74 = tpu.memref_slice %arg10[%dma_start3A, %dma_start3A_73] : memref<128x128xf32, #tpu.memory_space<vmem>> -> memref<128x128xf32, #tpu.memory_space<vmem>>
        %dma_start3A_75 = tpu.memref_slice %arg9[%mul3A_57] : memref<10000xi32, #tpu.memory_space<vmem>> -> memref<128xi32, #tpu.memory_space<vmem>>
        %dma_start3A_76 = arith.constant 0 : i32
        %dma_start3A_77 = arith.constant 0 : i32
        %dma_start3A_78 = tpu.memref_slice %arg13[%dma_start3A_76, %dma_start3A_77] : memref<10000x128xf32, #tpu.memory_space<vmem_shared>> -> memref<10000x128xf32, #tpu.memory_space<vmem_shared>>
        tpu.enqueue_indirect_dma source(%dma_start3A_74 : memref<128x128xf32, #tpu.memory_space<vmem>>) target(%dma_start3A_78 : memref<10000x128xf32, #tpu.memory_space<vmem_shared>>) offsets(%dma_start3A_75 : memref<128xi32, #tpu.memory_space<vmem>>) semaphore(%run_scoped3A : memref<!tpu.dma_semaphore, #tpu.memory_space<semaphore_mem>>) {add = true}
        %dma_wait3A = arith.constant 0 : i32
        %dma_wait3A_79 = arith.constant 0 : i32
        %dma_wait3A_80 = tpu.memref_slice %arg10[%dma_wait3A, %dma_wait3A_79] : memref<128x128xf32, #tpu.memory_space<vmem>> -> memref<128x128xf32, #tpu.memory_space<vmem>>
        %dma_wait3A_81 = tpu.memref_slice %arg9[%mul3A_57] : memref<10000xi32, #tpu.memory_space<vmem>> -> memref<128xi32, #tpu.memory_space<vmem>>
        %dma_wait3A_82 = arith.constant 0 : i32
        %dma_wait3A_83 = arith.constant 0 : i32
        %dma_wait3A_84 = tpu.memref_slice %arg13[%dma_wait3A_82, %dma_wait3A_83] : memref<10000x128xf32, #tpu.memory_space<vmem_shared>> -> memref<10000x128xf32, #tpu.memory_space<vmem_shared>>
        tpu.wait_indirect_dma semaphore(%run_scoped3A : memref<!tpu.dma_semaphore, #tpu.memory_space<semaphore_mem>>) src(%dma_wait3A_80 : memref<128x128xf32, #tpu.memory_space<vmem>>) dst(%dma_wait3A_84 : memref<10000x128xf32, #tpu.memory_space<vmem_shared>>)
        tpu.yield
      }) : () -> ()
    }
    %scan3A_25 = arith.constant 78 : i32
    %eq3A_26 = arith.constant 0 : i32
    %eq3A_27 = arith.cmpi eq, %arg0, %eq3A_26 : i32
    %convert_element_type3A_28 = arith.extui %eq3A_27 : i1 to i32
    %cond3A_29 = arith.constant 0 : i32
    %cond3A_30 = arith.cmpi ne, %convert_element_type3A_28, %cond3A_29 : i32
    scf.if %cond3A_30 {
      "tpu.region"() ({
        %run_scoped3A = tpu.sem_alloc : memref<!tpu.dma_semaphore, #tpu.memory_space<semaphore_mem>>
        %dma_start3A = arith.constant 0 : i32
        %dma_start3A_52 = arith.constant 0 : i32
        %dma_start3A_53 = tpu.memref_slice %arg11[%dma_start3A, %dma_start3A_52] : memref<128x16xf32, #tpu.memory_space<vmem>> -> memref<16x16xf32, #tpu.memory_space<vmem>>
        %dma_start3A_54 = arith.constant 9984 : i32
        %dma_start3A_55 = tpu.memref_slice %arg9[%dma_start3A_54] : memref<10000xi32, #tpu.memory_space<vmem>> -> memref<16xi32, #tpu.memory_space<vmem>>
        %dma_start3A_56 = arith.constant 0 : i32
        %dma_start3A_57 = arith.constant 0 : i32
        %dma_start3A_58 = tpu.memref_slice %arg14[%dma_start3A_56, %dma_start3A_57] : memref<10000x16xf32, #tpu.memory_space<vmem_shared>> -> memref<10000x16xf32, #tpu.memory_space<vmem_shared>>
        tpu.enqueue_indirect_dma source(%dma_start3A_53 : memref<16x16xf32, #tpu.memory_space<vmem>>) target(%dma_start3A_58 : memref<10000x16xf32, #tpu.memory_space<vmem_shared>>) offsets(%dma_start3A_55 : memref<16xi32, #tpu.memory_space<vmem>>) semaphore(%run_scoped3A : memref<!tpu.dma_semaphore, #tpu.memory_space<semaphore_mem>>) {add = true}
        %dma_wait3A = arith.constant 0 : i32
        %dma_wait3A_59 = arith.constant 0 : i32
        %dma_wait3A_60 = tpu.memref_slice %arg11[%dma_wait3A, %dma_wait3A_59] : memref<128x16xf32, #tpu.memory_space<vmem>> -> memref<16x16xf32, #tpu.memory_space<vmem>>
        %dma_wait3A_61 = arith.constant 9984 : i32
        %dma_wait3A_62 = tpu.memref_slice %arg9[%dma_wait3A_61] : memref<10000xi32, #tpu.memory_space<vmem>> -> memref<16xi32, #tpu.memory_space<vmem>>
        %dma_wait3A_63 = arith.constant 0 : i32
        %dma_wait3A_64 = arith.constant 0 : i32
        %dma_wait3A_65 = tpu.memref_slice %arg14[%dma_wait3A_63, %dma_wait3A_64] : memref<10000x16xf32, #tpu.memory_space<vmem_shared>> -> memref<10000x16xf32, #tpu.memory_space<vmem_shared>>
        tpu.wait_indirect_dma semaphore(%run_scoped3A : memref<!tpu.dma_semaphore, #tpu.memory_space<semaphore_mem>>) src(%dma_wait3A_60 : memref<16x16xf32, #tpu.memory_space<vmem>>) dst(%dma_wait3A_65 : memref<10000x16xf32, #tpu.memory_space<vmem_shared>>)
        tpu.yield
      }) : () -> ()
    } else {
    }
    %eq3A_31 = arith.constant 0 : i32
    %eq3A_32 = arith.cmpi eq, %arg0, %eq3A_31 : i32
    %convert_element_type3A_33 = arith.extui %eq3A_32 : i1 to i32
    %cond3A_34 = arith.constant 0 : i32
    %cond3A_35 = arith.cmpi ne, %convert_element_type3A_33, %cond3A_34 : i32
    scf.if %cond3A_35 {
      "tpu.region"() ({
        %run_scoped3A = tpu.sem_alloc : memref<!tpu.dma_semaphore, #tpu.memory_space<semaphore_mem>>
        %dma_start3A = arith.constant 0 : i32
        %dma_start3A_52 = arith.constant 0 : i32
        %dma_start3A_53 = tpu.memref_slice %arg10[%dma_start3A, %dma_start3A_52] : memref<128x128xf32, #tpu.memory_space<vmem>> -> memref<16x128xf32, #tpu.memory_space<vmem>>
        %dma_start3A_54 = arith.constant 9984 : i32
        %dma_start3A_55 = tpu.memref_slice %arg8[%dma_start3A_54] : memref<10000xi32, #tpu.memory_space<vmem>> -> memref<16xi32, #tpu.memory_space<vmem>>
        %dma_start3A_56 = arith.constant 0 : i32
        %dma_start3A_57 = arith.constant 0 : i32
        %dma_start3A_58 = tpu.memref_slice %arg2[%dma_start3A_56, %dma_start3A_57] : memref<10000x128xf32, #tpu.memory_space<hbm>> -> memref<10000x128xf32, #tpu.memory_space<hbm>>
        tpu.enqueue_indirect_dma source(%dma_start3A_58 : memref<10000x128xf32, #tpu.memory_space<hbm>>) target(%dma_start3A_53 : memref<16x128xf32, #tpu.memory_space<vmem>>) offsets(%dma_start3A_55 : memref<16xi32, #tpu.memory_space<vmem>>) semaphore(%run_scoped3A : memref<!tpu.dma_semaphore, #tpu.memory_space<semaphore_mem>>)
        %dma_wait3A = arith.constant 0 : i32
        %dma_wait3A_59 = arith.constant 0 : i32
        %dma_wait3A_60 = tpu.memref_slice %arg10[%dma_wait3A, %dma_wait3A_59] : memref<128x128xf32, #tpu.memory_space<vmem>> -> memref<16x128xf32, #tpu.memory_space<vmem>>
        %dma_wait3A_61 = arith.constant 9984 : i32
        %dma_wait3A_62 = tpu.memref_slice %arg8[%dma_wait3A_61] : memref<10000xi32, #tpu.memory_space<vmem>> -> memref<16xi32, #tpu.memory_space<vmem>>
        %dma_wait3A_63 = arith.constant 0 : i32
        %dma_wait3A_64 = arith.constant 0 : i32
        %dma_wait3A_65 = tpu.memref_slice %arg2[%dma_wait3A_63, %dma_wait3A_64] : memref<10000x128xf32, #tpu.memory_space<hbm>> -> memref<10000x128xf32, #tpu.memory_space<hbm>>
        tpu.wait_indirect_dma semaphore(%run_scoped3A : memref<!tpu.dma_semaphore, #tpu.memory_space<semaphore_mem>>) src(%dma_wait3A_65 : memref<10000x128xf32, #tpu.memory_space<hbm>>) dst(%dma_wait3A_60 : memref<16x128xf32, #tpu.memory_space<vmem>>)
        tpu.yield
      }) : () -> ()
    } else {
    }
    %eq3A_36 = arith.constant 1 : i32
    %eq3A_37 = arith.cmpi eq, %arg0, %eq3A_36 : i32
    %convert_element_type3A_38 = arith.extui %eq3A_37 : i1 to i32
    %cond3A_39 = arith.constant 0 : i32
    %cond3A_40 = arith.cmpi ne, %convert_element_type3A_38, %cond3A_39 : i32
    scf.if %cond3A_40 {
      "tpu.region"() ({
        %run_scoped3A = tpu.sem_alloc : memref<!tpu.dma_semaphore, #tpu.memory_space<semaphore_mem>>
        %dma_start3A = arith.constant 0 : i32
        %dma_start3A_52 = arith.constant 0 : i32
        %dma_start3A_53 = tpu.memref_slice %arg10[%dma_start3A, %dma_start3A_52] : memref<128x128xf32, #tpu.memory_space<vmem>> -> memref<16x128xf32, #tpu.memory_space<vmem>>
        %dma_start3A_54 = arith.constant 9984 : i32
        %dma_start3A_55 = tpu.memref_slice %arg8[%dma_start3A_54] : memref<10000xi32, #tpu.memory_space<vmem>> -> memref<16xi32, #tpu.memory_space<vmem>>
        %dma_start3A_56 = arith.constant 0 : i32
        %dma_start3A_57 = arith.constant 0 : i32
        %dma_start3A_58 = tpu.memref_slice %arg3[%dma_start3A_56, %dma_start3A_57] : memref<10000x128xf32, #tpu.memory_space<hbm>> -> memref<10000x128xf32, #tpu.memory_space<hbm>>
        tpu.enqueue_indirect_dma source(%dma_start3A_58 : memref<10000x128xf32, #tpu.memory_space<hbm>>) target(%dma_start3A_53 : memref<16x128xf32, #tpu.memory_space<vmem>>) offsets(%dma_start3A_55 : memref<16xi32, #tpu.memory_space<vmem>>) semaphore(%run_scoped3A : memref<!tpu.dma_semaphore, #tpu.memory_space<semaphore_mem>>)
        %dma_wait3A = arith.constant 0 : i32
        %dma_wait3A_59 = arith.constant 0 : i32
        %dma_wait3A_60 = tpu.memref_slice %arg10[%dma_wait3A, %dma_wait3A_59] : memref<128x128xf32, #tpu.memory_space<vmem>> -> memref<16x128xf32, #tpu.memory_space<vmem>>
        %dma_wait3A_61 = arith.constant 9984 : i32
        %dma_wait3A_62 = tpu.memref_slice %arg8[%dma_wait3A_61] : memref<10000xi32, #tpu.memory_space<vmem>> -> memref<16xi32, #tpu.memory_space<vmem>>
        %dma_wait3A_63 = arith.constant 0 : i32
        %dma_wait3A_64 = arith.constant 0 : i32
        %dma_wait3A_65 = tpu.memref_slice %arg3[%dma_wait3A_63, %dma_wait3A_64] : memref<10000x128xf32, #tpu.memory_space<hbm>> -> memref<10000x128xf32, #tpu.memory_space<hbm>>
        tpu.wait_indirect_dma semaphore(%run_scoped3A : memref<!tpu.dma_semaphore, #tpu.memory_space<semaphore_mem>>) src(%dma_wait3A_65 : memref<10000x128xf32, #tpu.memory_space<hbm>>) dst(%dma_wait3A_60 : memref<16x128xf32, #tpu.memory_space<vmem>>)
        tpu.yield
      }) : () -> ()
    } else {
    }
    "tpu.region"() ({
      %run_scoped3A = tpu.sem_alloc : memref<!tpu.dma_semaphore, #tpu.memory_space<semaphore_mem>>
      %dma_start3A = arith.constant 0 : i32
      %dma_start3A_52 = arith.constant 0 : i32
      %dma_start3A_53 = tpu.memref_slice %arg10[%dma_start3A, %dma_start3A_52] : memref<128x128xf32, #tpu.memory_space<vmem>> -> memref<16x128xf32, #tpu.memory_space<vmem>>
      %dma_start3A_54 = arith.constant 9984 : i32
      %dma_start3A_55 = tpu.memref_slice %arg9[%dma_start3A_54] : memref<10000xi32, #tpu.memory_space<vmem>> -> memref<16xi32, #tpu.memory_space<vmem>>
      %dma_start3A_56 = arith.constant 0 : i32
      %dma_start3A_57 = arith.constant 0 : i32
      %dma_start3A_58 = tpu.memref_slice %arg13[%dma_start3A_56, %dma_start3A_57] : memref<10000x128xf32, #tpu.memory_space<vmem_shared>> -> memref<10000x128xf32, #tpu.memory_space<vmem_shared>>
      tpu.enqueue_indirect_dma source(%dma_start3A_53 : memref<16x128xf32, #tpu.memory_space<vmem>>) target(%dma_start3A_58 : memref<10000x128xf32, #tpu.memory_space<vmem_shared>>) offsets(%dma_start3A_55 : memref<16xi32, #tpu.memory_space<vmem>>) semaphore(%run_scoped3A : memref<!tpu.dma_semaphore, #tpu.memory_space<semaphore_mem>>) {add = true}
      %dma_wait3A = arith.constant 0 : i32
      %dma_wait3A_59 = arith.constant 0 : i32
      %dma_wait3A_60 = tpu.memref_slice %arg10[%dma_wait3A, %dma_wait3A_59] : memref<128x128xf32, #tpu.memory_space<vmem>> -> memref<16x128xf32, #tpu.memory_space<vmem>>
      %dma_wait3A_61 = arith.constant 9984 : i32
      %dma_wait3A_62 = tpu.memref_slice %arg9[%dma_wait3A_61] : memref<10000xi32, #tpu.memory_space<vmem>> -> memref<16xi32, #tpu.memory_space<vmem>>
      %dma_wait3A_63 = arith.constant 0 : i32
      %dma_wait3A_64 = arith.constant 0 : i32
      %dma_wait3A_65 = tpu.memref_slice %arg13[%dma_wait3A_63, %dma_wait3A_64] : memref<10000x128xf32, #tpu.memory_space<vmem_shared>> -> memref<10000x128xf32, #tpu.memory_space<vmem_shared>>
      tpu.wait_indirect_dma semaphore(%run_scoped3A : memref<!tpu.dma_semaphore, #tpu.memory_space<semaphore_mem>>) src(%dma_wait3A_60 : memref<16x128xf32, #tpu.memory_space<vmem>>) dst(%dma_wait3A_65 : memref<10000x128xf32, #tpu.memory_space<vmem_shared>>)
      tpu.yield
    }) : () -> ()
    %barrier3A_41 = arith.constant 0 : index
    tpu.barrier barrier_id(%barrier3A_41)
    %eq3A_42 = arith.constant 0 : i32
    %eq3A_43 = arith.cmpi eq, %arg0, %eq3A_42 : i32
    %convert_element_type3A_44 = arith.extui %eq3A_43 : i1 to i32
    %cond3A_45 = arith.constant 0 : i32
    %cond3A_46 = arith.cmpi ne, %convert_element_type3A_44, %cond3A_45 : i32
    scf.if %cond3A_46 {
      %run_scoped3A = arith.constant 0 : i32
      "tpu.region"() ({
        %run_scoped3A_52 = tpu.sem_alloc : memref<!tpu.dma_semaphore, #tpu.memory_space<semaphore_mem>>
        %dma_start3A = arith.constant 0 : i32
        %dma_start3A_53 = tpu.memref_slice %arg6[%run_scoped3A, %mul3A_2, %dma_start3A] : memref<2x10000x128xf32, #tpu.memory_space<hbm>> -> memref<1x625x128xf32, #tpu.memory_space<hbm>>
        %dma_start3A_54 = tpu.memref_squeeze %dma_start3A_53 : memref<1x625x128xf32, #tpu.memory_space<hbm>> -> memref<625x128xf32, #tpu.memory_space<hbm>>
        %dma_start3A_55 = arith.constant 0 : i32
        %dma_start3A_56 = tpu.memref_slice %arg13[%mul3A_2, %dma_start3A_55] : memref<10000x128xf32, #tpu.memory_space<vmem_shared>> -> memref<625x128xf32, #tpu.memory_space<vmem_shared>>
        tpu.enqueue_dma source(%dma_start3A_56 : memref<625x128xf32, #tpu.memory_space<vmem_shared>>) target(%dma_start3A_54 : memref<625x128xf32, #tpu.memory_space<hbm>>) target_semaphore(%run_scoped3A_52 : memref<!tpu.dma_semaphore, #tpu.memory_space<semaphore_mem>>)
        %dma_wait3A = arith.constant 0 : i32
        %dma_wait3A_57 = tpu.memref_slice %arg6[%run_scoped3A, %mul3A_2, %dma_wait3A] : memref<2x10000x128xf32, #tpu.memory_space<hbm>> -> memref<1x625x128xf32, #tpu.memory_space<hbm>>
        %dma_wait3A_58 = tpu.memref_squeeze %dma_wait3A_57 : memref<1x625x128xf32, #tpu.memory_space<hbm>> -> memref<625x128xf32, #tpu.memory_space<hbm>>
        %dma_wait3A_59 = arith.constant 0 : i32
        %dma_wait3A_60 = tpu.memref_slice %arg13[%mul3A_2, %dma_wait3A_59] : memref<10000x128xf32, #tpu.memory_space<vmem_shared>> -> memref<625x128xf32, #tpu.memory_space<vmem_shared>>
        tpu.wait_dma2 semaphore(%run_scoped3A_52 : memref<!tpu.dma_semaphore, #tpu.memory_space<semaphore_mem>>) src(%dma_wait3A_60 : memref<625x128xf32, #tpu.memory_space<vmem_shared>>) dst(%dma_wait3A_58 : memref<625x128xf32, #tpu.memory_space<hbm>>)
        tpu.yield
      }) : () -> ()
      "tpu.region"() ({
        %run_scoped3A_52 = tpu.sem_alloc : memref<!tpu.dma_semaphore, #tpu.memory_space<semaphore_mem>>
        %dma_start3A = arith.constant 0 : i32
        %dma_start3A_53 = tpu.memref_slice %arg7[%mul3A_2, %dma_start3A] : memref<10000x16xf32, #tpu.memory_space<hbm>> -> memref<625x16xf32, #tpu.memory_space<hbm>>
        %dma_start3A_54 = arith.constant 0 : i32
        %dma_start3A_55 = tpu.memref_slice %arg14[%mul3A_2, %dma_start3A_54] : memref<10000x16xf32, #tpu.memory_space<vmem_shared>> -> memref<625x16xf32, #tpu.memory_space<vmem_shared>>
        tpu.enqueue_dma source(%dma_start3A_55 : memref<625x16xf32, #tpu.memory_space<vmem_shared>>) target(%dma_start3A_53 : memref<625x16xf32, #tpu.memory_space<hbm>>) target_semaphore(%run_scoped3A_52 : memref<!tpu.dma_semaphore, #tpu.memory_space<semaphore_mem>>)
        %dma_wait3A = arith.constant 0 : i32
        %dma_wait3A_56 = tpu.memref_slice %arg7[%mul3A_2, %dma_wait3A] : memref<10000x16xf32, #tpu.memory_space<hbm>> -> memref<625x16xf32, #tpu.memory_space<hbm>>
        %dma_wait3A_57 = arith.constant 0 : i32
        %dma_wait3A_58 = tpu.memref_slice %arg14[%mul3A_2, %dma_wait3A_57] : memref<10000x16xf32, #tpu.memory_space<vmem_shared>> -> memref<625x16xf32, #tpu.memory_space<vmem_shared>>
        tpu.wait_dma2 semaphore(%run_scoped3A_52 : memref<!tpu.dma_semaphore, #tpu.memory_space<semaphore_mem>>) src(%dma_wait3A_58 : memref<625x16xf32, #tpu.memory_space<vmem_shared>>) dst(%dma_wait3A_56 : memref<625x16xf32, #tpu.memory_space<hbm>>)
        tpu.yield
      }) : () -> ()
    } else {
    }
    %eq3A_47 = arith.constant 1 : i32
    %eq3A_48 = arith.cmpi eq, %arg0, %eq3A_47 : i32
    %convert_element_type3A_49 = arith.extui %eq3A_48 : i1 to i32
    %cond3A_50 = arith.constant 0 : i32
    %cond3A_51 = arith.cmpi ne, %convert_element_type3A_49, %cond3A_50 : i32
    scf.if %cond3A_51 {
      %run_scoped3A = arith.constant 1 : i32
      "tpu.region"() ({
        %run_scoped3A_52 = tpu.sem_alloc : memref<!tpu.dma_semaphore, #tpu.memory_space<semaphore_mem>>
        %dma_start3A = arith.constant 0 : i32
        %dma_start3A_53 = tpu.memref_slice %arg6[%run_scoped3A, %mul3A_2, %dma_start3A] : memref<2x10000x128xf32, #tpu.memory_space<hbm>> -> memref<1x625x128xf32, #tpu.memory_space<hbm>>
        %dma_start3A_54 = tpu.memref_squeeze %dma_start3A_53 : memref<1x625x128xf32, #tpu.memory_space<hbm>> -> memref<625x128xf32, #tpu.memory_space<hbm>>
        %dma_start3A_55 = arith.constant 0 : i32
        %dma_start3A_56 = tpu.memref_slice %arg13[%mul3A_2, %dma_start3A_55] : memref<10000x128xf32, #tpu.memory_space<vmem_shared>> -> memref<625x128xf32, #tpu.memory_space<vmem_shared>>
        tpu.enqueue_dma source(%dma_start3A_56 : memref<625x128xf32, #tpu.memory_space<vmem_shared>>) target(%dma_start3A_54 : memref<625x128xf32, #tpu.memory_space<hbm>>) target_semaphore(%run_scoped3A_52 : memref<!tpu.dma_semaphore, #tpu.memory_space<semaphore_mem>>)
        %dma_wait3A = arith.constant 0 : i32
        %dma_wait3A_57 = tpu.memref_slice %arg6[%run_scoped3A, %mul3A_2, %dma_wait3A] : memref<2x10000x128xf32, #tpu.memory_space<hbm>> -> memref<1x625x128xf32, #tpu.memory_space<hbm>>
        %dma_wait3A_58 = tpu.memref_squeeze %dma_wait3A_57 : memref<1x625x128xf32, #tpu.memory_space<hbm>> -> memref<625x128xf32, #tpu.memory_space<hbm>>
        %dma_wait3A_59 = arith.constant 0 : i32
        %dma_wait3A_60 = tpu.memref_slice %arg13[%mul3A_2, %dma_wait3A_59] : memref<10000x128xf32, #tpu.memory_space<vmem_shared>> -> memref<625x128xf32, #tpu.memory_space<vmem_shared>>
        tpu.wait_dma2 semaphore(%run_scoped3A_52 : memref<!tpu.dma_semaphore, #tpu.memory_space<semaphore_mem>>) src(%dma_wait3A_60 : memref<625x128xf32, #tpu.memory_space<vmem_shared>>) dst(%dma_wait3A_58 : memref<625x128xf32, #tpu.memory_space<hbm>>)
        tpu.yield
      }) : () -> ()
    } else {
    }
    return
  }
}

module attributes {stable_mosaic.version = 14 : i64} {
  func.func @_mm0_body(%arg0: i32, %arg1: memref<2000x256xf32, #tpu.memory_space<vmem>>, %arg2: memref<256x256xf32, #tpu.memory_space<vmem>>, %arg3: memref<2000x128xf32, #tpu.memory_space<vmem>>, %arg4: memref<2000x128xf32, #tpu.memory_space<vmem>>) attributes {dimension_semantics = [#tpu.dimension_semantics<arbitrary>], iteration_bounds = array<i64: 5>, scalar_prefetch = 0 : i64, scratch_operands = 0 : i64, tpu.core_type = #tpu.core_type<tc>, window_params = [{transform_indices = @transform_0, window_bounds = array<i64: 2000, 256>}, {pipeline_mode = #tpu.pipeline_mode<synchronous>, transform_indices = @transform_1, window_bounds = array<i64: 256, 256>}, {transform_indices = @transform_2, window_bounds = array<i64: 2000, 128>}, {transform_indices = @transform_3, window_bounds = array<i64: 2000, 128>}]} {
    %get3A = arith.constant 0 : index
    %get3A_0 = arith.constant 0 : index
    %get3A_1 = vector.load %arg1[%get3A, %get3A_0] : memref<2000x256xf32, #tpu.memory_space<vmem>>, vector<2000x256xf32>
    %get3A_2 = arith.constant 0 : index
    %get3A_3 = arith.constant 0 : index
    %get3A_4 = vector.load %arg2[%get3A_2, %get3A_3] : memref<256x256xf32, #tpu.memory_space<vmem>>, vector<256x256xf32>
    %dot_general3A = arith.constant dense<0.000000e+00> : vector<2000x256xf32>
    %dot_general3A_5 = tpu.matmul %get3A_1, %get3A_4, %dot_general3A {dimension_numbers = #tpu.dot_dimension_numbers<[1], [0], [0], [1], [0, 0, 1, 1], [], []>, transpose_lhs_hint = false} : vector<2000x256xf32>, vector<256x256xf32>, vector<2000x256xf32> -> vector<2000x256xf32>
    %slice3A = vector.extract_strided_slice %dot_general3A_5 {offsets = [0, 0], sizes = [2000, 128], strides = [1, 1]} : vector<2000x256xf32> to vector<2000x128xf32>
    %swap3A = arith.constant 0 : index
    %swap3A_6 = arith.constant 0 : index
    %swap3A_7 = vector.load %arg3[%swap3A, %swap3A_6] : memref<2000x128xf32, #tpu.memory_space<vmem>>, vector<2000x128xf32>
    tpu.vector_store %arg3[%swap3A, %swap3A_6], %slice3A {strides = array<i32>} : memref<2000x128xf32, #tpu.memory_space<vmem>>, vector<2000x128xf32>,
    %slice3A_8 = vector.extract_strided_slice %dot_general3A_5 {offsets = [0, 128], sizes = [2000, 128], strides = [1, 1]} : vector<2000x256xf32> to vector<2000x128xf32>
    %swap3A_9 = arith.constant 0 : index
    %swap3A_10 = arith.constant 0 : index
    %swap3A_11 = vector.load %arg4[%swap3A_9, %swap3A_10] : memref<2000x128xf32, #tpu.memory_space<vmem>>, vector<2000x128xf32>
    tpu.vector_store %arg4[%swap3A_9, %swap3A_10], %slice3A_8 {strides = array<i32>} : memref<2000x128xf32, #tpu.memory_space<vmem>>, vector<2000x128xf32>,
    return
  }
  func.func @transform_0(%arg0: i32) -> (i32, i32) {
    %c0_i32 = arith.constant 0 : i32
    %c0_i32_0 = arith.constant 0 : i32
    return %arg0, %c0_i32 : i32, i32
  }
  func.func @transform_1(%arg0: i32) -> (i32, i32) {
    %c0_i32 = arith.constant 0 : i32
    %c0_i32_0 = arith.constant 0 : i32
    %c0_i32_1 = arith.constant 0 : i32
    return %c0_i32, %c0_i32_0 : i32, i32
  }
  func.func @transform_2(%arg0: i32) -> (i32, i32) {
    %c0_i32 = arith.constant 0 : i32
    %c0_i32_0 = arith.constant 0 : i32
    return %arg0, %c0_i32 : i32, i32
  }
  func.func @transform_3(%arg0: i32) -> (i32, i32) {
    %c0_i32 = arith.constant 0 : i32
    %c0_i32_0 = arith.constant 0 : i32
    return %arg0, %c0_i32 : i32, i32
  }
}

module attributes {stable_mosaic.version = 14 : i64} {
  func.func @_mm1_body(%arg0: i32, %arg1: memref<2x2000x128xf32, #tpu.memory_space<vmem>>, %arg2: memref<2000x16xf32, #tpu.memory_space<vmem>>, %arg3: memref<256x256xf32, #tpu.memory_space<vmem>>, %arg4: memref<2000x128xf32, #tpu.memory_space<vmem>>, %arg5: memref<2000x128xf32, #tpu.memory_space<vmem>>) attributes {dimension_semantics = [#tpu.dimension_semantics<arbitrary>], iteration_bounds = array<i64: 5>, scalar_prefetch = 0 : i64, scratch_operands = 0 : i64, tpu.core_type = #tpu.core_type<tc>, window_params = [{transform_indices = @transform_0, window_bounds = array<i64: 2, 2000, 128>}, {transform_indices = @transform_1, window_bounds = array<i64: 2000, 16>}, {pipeline_mode = #tpu.pipeline_mode<synchronous>, transform_indices = @transform_2, window_bounds = array<i64: 256, 256>}, {transform_indices = @transform_3, window_bounds = array<i64: 2000, 128>}, {transform_indices = @transform_4, window_bounds = array<i64: 2000, 128>}]} {
    %get3A = arith.constant 0 : index
    %get3A_0 = arith.constant 0 : index
    %get3A_1 = vector.load %arg2[%get3A, %get3A_0] : memref<2000x16xf32, #tpu.memory_space<vmem>>, vector<2000x1xf32>
    %max3A = arith.constant 1.000000e+00 : f32
    %max3A_2 = vector.broadcast %max3A : f32 to vector<2000x1xf32>
    %max3A_3 = arith.maximumf %get3A_1, %max3A_2 : vector<2000x1xf32>
    %div3A = arith.constant 1.000000e+00 : f32
    %div3A_4 = vector.broadcast %div3A : f32 to vector<2000x1xf32>
    %div3A_5 = arith.divf %div3A_4, %max3A_3 : vector<2000x1xf32>
    %get3A_6 = arith.constant 0 : index
    %get3A_7 = arith.constant 0 : index
    %get3A_8 = arith.constant 0 : index
    %get3A_9 = vector.load %arg1[%get3A_6, %get3A_7, %get3A_8] : memref<2x2000x128xf32, #tpu.memory_space<vmem>>, vector<1x2000x128xf32>
    %get3A_10 = vector.shape_cast %get3A_9 : vector<1x2000x128xf32> to vector<2000x128xf32>
    %max3A_11 = arith.constant 0.000000e+00 : f32
    %max3A_12 = vector.broadcast %max3A_11 : f32 to vector<2000x128xf32>
    %max3A_13 = arith.maximumf %get3A_10, %max3A_12 : vector<2000x128xf32>
    %mul3A = vector.broadcast %div3A_5 : vector<2000x1xf32> to vector<2000x128xf32>
    %mul3A_14 = arith.mulf %max3A_13, %mul3A : vector<2000x128xf32>
    %get3A_15 = arith.constant 1 : index
    %get3A_16 = arith.constant 0 : index
    %get3A_17 = arith.constant 0 : index
    %get3A_18 = vector.load %arg1[%get3A_15, %get3A_16, %get3A_17] : memref<2x2000x128xf32, #tpu.memory_space<vmem>>, vector<1x2000x128xf32>
    %get3A_19 = vector.shape_cast %get3A_18 : vector<1x2000x128xf32> to vector<2000x128xf32>
    %max3A_20 = arith.constant 0.000000e+00 : f32
    %max3A_21 = vector.broadcast %max3A_20 : f32 to vector<2000x128xf32>
    %max3A_22 = arith.maximumf %get3A_19, %max3A_21 : vector<2000x128xf32>
    %mul3A_23 = vector.broadcast %div3A_5 : vector<2000x1xf32> to vector<2000x128xf32>
    %mul3A_24 = arith.mulf %max3A_22, %mul3A_23 : vector<2000x128xf32>
    %get3A_25 = arith.constant 0 : index
    %get3A_26 = arith.constant 0 : index
    %get3A_27 = vector.load %arg3[%get3A_25, %get3A_26] : memref<256x256xf32, #tpu.memory_space<vmem>>, vector<128x256xf32>
    %dot_general3A = arith.constant dense<0.000000e+00> : vector<2000x256xf32>
    %dot_general3A_28 = tpu.matmul %mul3A_14, %get3A_27, %dot_general3A {dimension_numbers = #tpu.dot_dimension_numbers<[1], [0], [0], [1], [0, 0, 1, 1], [], []>, transpose_lhs_hint = false} : vector<2000x128xf32>, vector<128x256xf32>, vector<2000x256xf32> -> vector<2000x256xf32>
    %get3A_29 = arith.constant 128 : index
    %get3A_30 = arith.constant 0 : index
    %get3A_31 = vector.load %arg3[%get3A_29, %get3A_30] : memref<256x256xf32, #tpu.memory_space<vmem>>, vector<128x256xf32>
    %dot_general3A_32 = arith.constant dense<0.000000e+00> : vector<2000x256xf32>
    %dot_general3A_33 = tpu.matmul %mul3A_24, %get3A_31, %dot_general3A_32 {dimension_numbers = #tpu.dot_dimension_numbers<[1], [0], [0], [1], [0, 0, 1, 1], [], []>, transpose_lhs_hint = false} : vector<2000x128xf32>, vector<128x256xf32>, vector<2000x256xf32> -> vector<2000x256xf32>
    %add3A = arith.addf %dot_general3A_28, %dot_general3A_33 : vector<2000x256xf32>
    %slice3A = vector.extract_strided_slice %add3A {offsets = [0, 0], sizes = [2000, 128], strides = [1, 1]} : vector<2000x256xf32> to vector<2000x128xf32>
    %swap3A = arith.constant 0 : index
    %swap3A_34 = arith.constant 0 : index
    %swap3A_35 = vector.load %arg4[%swap3A, %swap3A_34] : memref<2000x128xf32, #tpu.memory_space<vmem>>, vector<2000x128xf32>
    tpu.vector_store %arg4[%swap3A, %swap3A_34], %slice3A {strides = array<i32>} : memref<2000x128xf32, #tpu.memory_space<vmem>>, vector<2000x128xf32>,
    %slice3A_36 = vector.extract_strided_slice %add3A {offsets = [0, 128], sizes = [2000, 128], strides = [1, 1]} : vector<2000x256xf32> to vector<2000x128xf32>
    %swap3A_37 = arith.constant 0 : index
    %swap3A_38 = arith.constant 0 : index
    %swap3A_39 = vector.load %arg5[%swap3A_37, %swap3A_38] : memref<2000x128xf32, #tpu.memory_space<vmem>>, vector<2000x128xf32>
    tpu.vector_store %arg5[%swap3A_37, %swap3A_38], %slice3A_36 {strides = array<i32>} : memref<2000x128xf32, #tpu.memory_space<vmem>>, vector<2000x128xf32>,
    return
  }
  func.func @transform_0(%arg0: i32) -> (i32, i32, i32) {
    %c0_i32 = arith.constant 0 : i32
    %c0_i32_0 = arith.constant 0 : i32
    %c0_i32_1 = arith.constant 0 : i32
    return %c0_i32, %arg0, %c0_i32_0 : i32, i32, i32
  }
  func.func @transform_1(%arg0: i32) -> (i32, i32) {
    %c0_i32 = arith.constant 0 : i32
    %c0_i32_0 = arith.constant 0 : i32
    return %arg0, %c0_i32 : i32, i32
  }
  func.func @transform_2(%arg0: i32) -> (i32, i32) {
    %c0_i32 = arith.constant 0 : i32
    %c0_i32_0 = arith.constant 0 : i32
    %c0_i32_1 = arith.constant 0 : i32
    return %c0_i32, %c0_i32_0 : i32, i32
  }
  func.func @transform_3(%arg0: i32) -> (i32, i32) {
    %c0_i32 = arith.constant 0 : i32
    %c0_i32_0 = arith.constant 0 : i32
    return %arg0, %c0_i32 : i32, i32
  }
  func.func @transform_4(%arg0: i32) -> (i32, i32) {
    %c0_i32 = arith.constant 0 : i32
    %c0_i32_0 = arith.constant 0 : i32
    return %arg0, %c0_i32 : i32, i32
  }
}

module attributes {stable_mosaic.version = 14 : i64} {
  func.func @_scale_body(%arg0: i32, %arg1: memref<2x2000x128xf32, #tpu.memory_space<vmem>>, %arg2: memref<2000x16xf32, #tpu.memory_space<vmem>>, %arg3: memref<2000x256xf32, #tpu.memory_space<vmem>>) attributes {dimension_semantics = [#tpu.dimension_semantics<arbitrary>], iteration_bounds = array<i64: 5>, scalar_prefetch = 0 : i64, scratch_operands = 0 : i64, tpu.core_type = #tpu.core_type<tc>, window_params = [{transform_indices = @transform_0, window_bounds = array<i64: 2, 2000, 128>}, {transform_indices = @transform_1, window_bounds = array<i64: 2000, 16>}, {transform_indices = @transform_2, window_bounds = array<i64: 2000, 256>}]} {
    %get3A = arith.constant 0 : index
    %get3A_0 = arith.constant 0 : index
    %get3A_1 = vector.load %arg2[%get3A, %get3A_0] : memref<2000x16xf32, #tpu.memory_space<vmem>>, vector<2000x1xf32>
    %max3A = arith.constant 1.000000e+00 : f32
    %max3A_2 = vector.broadcast %max3A : f32 to vector<2000x1xf32>
    %max3A_3 = arith.maximumf %get3A_1, %max3A_2 : vector<2000x1xf32>
    %div3A = arith.constant 1.000000e+00 : f32
    %div3A_4 = vector.broadcast %div3A : f32 to vector<2000x1xf32>
    %div3A_5 = arith.divf %div3A_4, %max3A_3 : vector<2000x1xf32>
    %get3A_6 = arith.constant 0 : index
    %get3A_7 = arith.constant 0 : index
    %get3A_8 = arith.constant 0 : index
    %get3A_9 = vector.load %arg1[%get3A_6, %get3A_7, %get3A_8] : memref<2x2000x128xf32, #tpu.memory_space<vmem>>, vector<1x2000x128xf32>
    %get3A_10 = vector.shape_cast %get3A_9 : vector<1x2000x128xf32> to vector<2000x128xf32>
    %mul3A = vector.broadcast %div3A_5 : vector<2000x1xf32> to vector<2000x128xf32>
    %mul3A_11 = arith.mulf %get3A_10, %mul3A : vector<2000x128xf32>
    %swap3A = arith.constant 0 : index
    %swap3A_12 = arith.constant 0 : index
    %swap3A_13 = vector.load %arg3[%swap3A, %swap3A_12] : memref<2000x256xf32, #tpu.memory_space<vmem>>, vector<2000x128xf32>
    tpu.vector_store %arg3[%swap3A, %swap3A_12], %mul3A_11 {strides = array<i32>} : memref<2000x256xf32, #tpu.memory_space<vmem>>, vector<2000x128xf32>,
    %get3A_14 = arith.constant 1 : index
    %get3A_15 = arith.constant 0 : index
    %get3A_16 = arith.constant 0 : index
    %get3A_17 = vector.load %arg1[%get3A_14, %get3A_15, %get3A_16] : memref<2x2000x128xf32, #tpu.memory_space<vmem>>, vector<1x2000x128xf32>
    %get3A_18 = vector.shape_cast %get3A_17 : vector<1x2000x128xf32> to vector<2000x128xf32>
    %mul3A_19 = vector.broadcast %div3A_5 : vector<2000x1xf32> to vector<2000x128xf32>
    %mul3A_20 = arith.mulf %get3A_18, %mul3A_19 : vector<2000x128xf32>
    %swap3A_21 = arith.constant 0 : index
    %swap3A_22 = arith.constant 128 : index
    %swap3A_23 = vector.load %arg3[%swap3A_21, %swap3A_22] : memref<2000x256xf32, #tpu.memory_space<vmem>>, vector<2000x128xf32>
    tpu.vector_store %arg3[%swap3A_21, %swap3A_22], %mul3A_20 {strides = array<i32>} : memref<2000x256xf32, #tpu.memory_space<vmem>>, vector<2000x128xf32>,
    return
  }
  func.func @transform_0(%arg0: i32) -> (i32, i32, i32) {
    %c0_i32 = arith.constant 0 : i32
    %c0_i32_0 = arith.constant 0 : i32
    %c0_i32_1 = arith.constant 0 : i32
    return %c0_i32, %arg0, %c0_i32_0 : i32, i32, i32
  }
  func.func @transform_1(%arg0: i32) -> (i32, i32) {
    %c0_i32 = arith.constant 0 : i32
    %c0_i32_0 = arith.constant 0 : i32
    return %arg0, %c0_i32 : i32, i32
  }
  func.func @transform_2(%arg0: i32) -> (i32, i32) {
    %c0_i32 = arith.constant 0 : i32
    %c0_i32_0 = arith.constant 0 : i32
    return %arg0, %c0_i32 : i32, i32
  }
}

</mosaic_0001>

<sc_bundles>
// kernel: kernel.10.cloned.1.call-start
scs
__scs_entry_jumppad:
0x0: {  	(pc) =	sbr.rel $0x88, $3  }
0x1: {  	(tag) =	ssettag $0x0;
	lr =	simm.s32 $0x1  }
0x2: {  	[smem:$0x3F9D] =	sst lr;
	_ =	strace $0xD0000000  }
0x3: {  	_ = 	snop  }
0x4: {  	_ = 	snop  }
0x5: {  	_ = 	snop  }
0x6: {  	_ = 	snop  }
0x7: {  	_ = 	snop  }
__scs_overlays_trampoline_lowered:
0x8: {  	[smem:$0x3FAC] =	sst s0  }
0x9: {  	[smem:$0x3FAD] =	sst s1  }
0xa: {  	[smem:$0x3FAE] =	sst s2  }
0xb: {  	[smem:$0x3FAF] =	sst s3  }
0xc: {  	[smem:$0x3FB0] =	sst s4  }
0xd: {  	[smem:$0x3FB1] =	sst s5  }
0xe: {  	[smem:$0x3FB2] =	sst s6  }
0xf: {  	[smem:$0x3FB3] =	sst s7  }
0x10: {  	[smem:$0x3FB4] =	sst s8  }
0x11: {  	[smem:$0x3FB5] =	sst s9;
	s0 =	simm.s32 @!p0 $0x0  }
0x12: {  	s1 =	sld [smem:$0x3F9B];
	s0 =	simm.s32 @p0 $0x1  }
0x13: {  	[smem:$0x3FB6] =	sst s0;
	s0 =	simm.s32 @!p1 $0x0  }
0x14: {  	s2 =	sld [smem:$0x3F9A];
	s0 =	simm.s32 @p1 $0x1  }
0x15: {  	[smem:$0x3FB7] =	sst s0;
	s0 =	simm.s32 @!p2 $0x0  }
0x16: {  	s3 =	sld [smem:$0x3FDB];
	s0 =	simm.s32 @p2 $0x1  }
0x17: {  	s4 =	simm.s32 $0x1BF5;
	[smem:$0x3FB9] =	sst s0  }
0x18: {  	s0 =	sld [smem:$0x3F9C];
	_ =	swait.ge [sflag:s4], $0x0  }
0x19: {  	s7 =	sld [smem:$0x3F9D]  }
0x1a: {  	s8 =	sadd.s32 $0xFFFFE003, lr  }
0x1b: {  	s9 =	sadd.s32 $0xFFFFFEF7, lr;
	s5 =	simm.s32 $0xFFFFFFFF;
	p2 =	slt.u32 s8, $0xFFFFF086  }
0x1c: {  	p1 =	slt.u32 s9, $0xF7A;
	s5 =	simm.s32 @!p2 $0x0  }
0x1d: {  	s5 =	simm.s32 @p1 $0x1;
	p0 =	seq.s32 s7, s2  }
0x1e: {  	s7 =	smul.u32 @!p0 $0xF7A, s2;
	p2 =	seq.s32 @!p0 s5, $0x0  }
0x1f: {  	s9 =	smul.u32 $0xF7A, s1;
	s8 =	simm.s32 @!p0 $0x1BF5;
	p2 =	por !p2, p0  }
0x20: {  	[sflag:s8] =	ssyncset.s32 @!p0 $0xFFFFF086;
	s6 =	sadd.s32 @!p0 s3, s7;
	s7 =	simm.s32 @!p0 $0x108  }
0x21: {  	s3 =	sadd.s32 s3, s9;
	s6 =	sadd.s32 @!p0 $0x88, s6;
	s7 =	simm.s32 @p2 $0x1082  }
0x22: {  	[simem:s7], [sflag:s8] =	dma.local @!p0 [hbm:s6], $0xF7A  }
0x23: {  	s9 =	sor.u32 $0xD0000000, s2;
	s6 =	simm.s32 $0x108;
	_ =	swait.ge @!p0 [sflag:s8], $0x0  }
0x24: {  	s3 =	sadd.s32 $0x88, s3;
	s6 =	simm.s32 @!p1 $0x1082;
	[sflag:s4] =	ssyncset.s32 $0xFFFFF086  }
0x25: {  	[simem:s6], [sflag:s4] =	dma.local [hbm:s3], $0xF7A  }
0x26: {  	[smem:$0x3F9D] =	sst s1;
	(tag) =	ssettag s2;
	_ =	strace s9  }
0x27: {  	s1 =	sld [smem:$0x3FAD]  }
0x28: {  	s2 =	sld [smem:$0x3FAE]  }
0x29: {  	s4 =	sld [smem:$0x3FB0]  }
0x2a: {  	p0 =	seq.s32 s5, $0x0;
	s5 =	sld [smem:$0x3FB1]  }
0x2b: {  	s6 =	sld [smem:$0x3FB2]  }
0x2c: {  	s7 =	sld [smem:$0x3FB3]  }
0x2d: {  	s3 =	simm.s32 $0x108;
	s8 =	sld [smem:$0x3FB4]  }
0x2e: {  	s3 =	simm.s32 @!p0 $0x1082;
	s9 =	sld [smem:$0x3FB5]  }
0x2f: {  	lr =	sadd.s32 s0, s3;
	s0 =	sld [smem:$0x3FAC]  }
0x30: {  	s3 =	sld [smem:$0x3FAF]  }
0x31: {  	[smem:$0x3FB8] =	sst s10  }
0x32: {  	s10 =	sld [smem:$0x3FB6];
	_ =	sdelay $0x3  }
0x33: {  	p0 =	seq.s32 s10, $0x1;
	s10 =	sld [smem:$0x3FB8];
	_ =	sdelay $0x3  }
0x34: {  	[smem:$0x3FB8] =	sst s10  }
0x35: {  	s10 =	sld [smem:$0x3FB7];
	_ =	sdelay $0x3  }
0x36: {  	p1 =	seq.s32 s10, $0x1;
	s10 =	sld [smem:$0x3FB8];
	_ =	sdelay $0x3  }
0x37: {  	[smem:$0x3FB8] =	sst s10  }
0x38: {  	s10 =	sld [smem:$0x3FB9]  }
0x39: {  	_ = 	snop;
	(pc) =	sbr.ind lr, $3  }
0x3a: {  	_ = 	snop  }
0x3b: {  	_ = 	snop  }
0x3c: {  	p2 =	seq.s32 s10, $0x1;
	s10 =	sld [smem:$0x3FB8]  }
0x3d: {  	_ =	shalt  }
0x3e: {  	_ =	shalt  }
0x3f: {  	_ =	shalt  }
0x40: {  	_ =	shalt  }
0x41: {  	_ =	shalt  }
0x42: {  	_ =	shalt  }
0x43: {  	_ =	shalt  }
0x44: {  	_ =	shalt  }
0x45: {  	_ =	shalt  }
0x46: {  	_ =	shalt  }
0x47: {  	_ =	shalt  }
0x48: {  	_ =	shalt  }
0x49: {  	_ =	shalt  }
0x4a: {  	_ =	shalt  }
0x4b: {  	_ =	shalt  }
0x4c: {  	_ =	shalt  }
0x4d: {  	_ =	shalt  }
0x4e: {  	_ =	shalt  }
0x4f: {  	_ =	shalt  }
0x50: {  	_ =	shalt  }
0x51: {  	_ =	shalt  }
0x52: {  	_ =	shalt  }
0x53: {  	_ =	shalt  }
0x54: {  	_ =	shalt  }
0x55: {  	_ =	shalt  }
0x56: {  	_ =	shalt  }
0x57: {  	_ =	shalt  }
0x58: {  	_ =	shalt  }
0x59: {  	_ =	shalt  }
0x5a: {  	_ =	shalt  }
0x5b: {  	_ =	shalt  }
0x5c: {  	_ =	shalt  }
0x5d: {  	_ =	shalt  }
0x5e: {  	_ =	shalt  }
0x5f: {  	_ =	shalt  }
0x60: {  	_ =	shalt  }
0x61: {  	_ =	shalt  }
0x62: {  	_ =	shalt  }
0x63: {  	_ =	shalt  }
0x64: {  	_ =	shalt  }
0x65: {  	_ =	shalt  }
0x66: {  	_ =	shalt  }
0x67: {  	_ =	shalt  }
0x68: {  	_ =	shalt  }
0x69: {  	_ =	shalt  }
0x6a: {  	_ =	shalt  }
0x6b: {  	_ =	shalt  }
0x6c: {  	_ =	shalt  }
0x6d: {  	_ =	shalt  }
0x6e: {  	_ =	shalt  }
0x6f: {  	_ =	shalt  }
0x70: {  	_ =	shalt  }
0x71: {  	_ =	shalt  }
0x72: {  	_ =	shalt  }
0x73: {  	_ =	shalt  }
0x74: {  	_ =	shalt  }
0x75: {  	_ =	shalt  }
0x76: {  	_ =	shalt  }
0x77: {  	_ =	shalt  }
0x78: {  	_ =	shalt  }
0x79: {  	_ =	shalt  }
0x7a: {  	_ =	shalt  }
0x7b: {  	_ =	shalt  }
0x7c: {  	_ =	shalt  }
0x7d: {  	_ =	shalt  }
0x7e: {  	_ =	shalt  }
0x7f: {  	_ =	shalt  }
0x80: {  	_ =	shalt  }
0x81: {  	_ =	shalt  }
0x82: {  	_ =	shalt  }
0x83: {  	_ =	shalt  }
0x84: {  	_ =	shalt  }
0x85: {  	_ =	shalt  }
0x86: {  	_ =	shalt  }
0x87: {  	_ =	shalt  }
.Lfunc_end0:
.L_simem_size_0:
called_computation.1_lowered:
.L_overlay_start_0:
0x88: {  	s2 =	sld [smem:$0x3FD9]  }
0x89: {  	s3 =	sld [smem:$0x3FFE];
	_ =	sdelay $0x1  }
0x8a: {  	s1 =	srdreg.scid  }
0x8b: {  	s0 =	sand.u32 $0x1, s1  }
0x8c: {  	s17 =	sshll.u32 s0, $0xA;
	s2 =	sadd.s32 s3, s2  }
0x8d: {  	s2 =	sadd.s32 s2, s17  }
0x8e: {  	[smem:$0x3FC4] =	sst s2  }
0x8f: {  	_ = 	snop  }
0x90: {  	s2 =	sld [smem:$0x3FD0];
	(tm) =	ssettm $0x1  }
0x91: {  	s18 =	sld [smem:$0x3FFB];
	_ =	sdelay $0x3  }
0x92: {  	_ =	strace s18  }
0x93: {  	s3 =	sld [smem:$0x3FFC];
	_ =	sdelay $0x3  }
0x94: {  	_ =	strace s3  }
0x95: {  	s3 =	sld [smem:$0x3FFD];
	_ =	sdelay $0x3  }
0x96: {  	_ =	strace s3  }
0x97: {  	_ =	strace $0x8FFFFFFF  }
0x98: {  	s19 =	sld [smem:$0x3FDB];
	_ =	sdelay $0x1  }
0x99: {  	s4 =	simm.s32 $_scs_section_size  }
0x9a: {  	s5 =	simm.s32 $_size__tile_overlayer_lowered;
	s6 =	simm.s32 $_tile_overlayer_lowered  }
0x9b: {  	s22 =	simm.s32 $0x1BFF;
	s21 =	sshll.u32 s6, $0x1;
	s3 =	sadd.s32 s4, s19  }
0x9c: {  	s7 =	simm.s32 $0x0;
	s20 =	sshll.u32 s5, $0x1;
	s5 =	sadd.s32 s21, s3  }
0x9d: {  	[timem:s7], [sflag:s22] =	dma.local [hbm:s5], s20  }
0x9e: {  	_ =	swait.ge [sflag:s22], s20  }
0x9f: {  	s4 =	ssub.s32 $0x0, s20;
	[sflag:s22] =	ssyncset.done $0x0  }
0xa0: {  	[sflag:s22] =	ssyncadd.s32 s4;
	_ =	sdelay $0x1  }
0xa1: {  	s23 =	simm.s32 $0x1B8B  }
0xa2: {  	_ =	swait.ge [sflag:s23], $0x1  }
0xa3: {  	[sflag:s23] =	ssyncset.done $0x0  }
0xa4: {  	s25 =	simm.s32 $0x1B8E;
	s24 =	sld [smem:$0x3FFE];
	[sflag:s23] =	ssyncadd.s32 $0xFFFFFFFF  }
0xa5: {  	s26 =	simm.s32 $execute0_lowered;
	[smem:$0x3FD2] =	sst s25  }
0xa6: {  	s5 =	sshll.u32 s26, $0x1;
	_ =	strace $0x80000049;
	[dreg:$0x1] =	wrdreg $0xFFFFFFFF  }
0xa7: {  	s28 =	simm.s32 $_size_execute0_lowered;
	s3 =	sadd.s32 s3, s5;
	[dreg:$0x0] =	wrdreg $0x0  }
0xa8: {  	s5 =	sshll.u32 s28, $0x1;
	[dreg:$0x2] =	wrdreg s3  }
0xa9: {  	[dreg:$0x3] =	wrdreg s5  }
0xaa: {  	[dreg:$0x4] =	wrdreg $0xC0  }
0xab: {  	_ =	task [dreg:s7], $0x5FFFF  }
0xac: {  	[dreg:$0x1] =	wrdreg $0xFFFFFFFF  }
0xad: {  	[dreg:$0x0] =	wrdreg $0x60  }
0xae: {  	[dreg:$0x2] =	wrdreg s24  }
0xaf: {  	[dreg:$0x3] =	wrdreg s2  }
0xb0: {  	[dreg:$0x4] =	wrdreg $0x8E200  }
0xb1: {  	[dreg:$0x5] =	wrdreg $0x9  }
0xb2: {  	_ =	task.clear_ibuf [dreg:s7], $0x6FFFF;
	_ =	strace $0x90000049  }
0xb3: {  	s29 =	simm.s32 $0x9;
	_ =	strace $0x8000004B  }
0xb4: {  	_ =	swait.ge [sflag:s29], $0x1  }
0xb5: {  	[sflag:s29] =	ssyncadd.s32 $0xFFFFFFFF  }
0xb6: {  	_ =	strace $0x9000004B  }
0xb7: {  	_ =	sfence  }
0xb8: {  	s30 =	sld [smem:$0x0];
	_ =	sdelay $0x2  }
0xb9: {  	s31 =	sshll.u32 s1, $0xD;
	s1 =	sshrl.u32 s1, $0x2  }
0xba: {  	s3 =	sand.u32 $0x4000, s31;
	s1 =	sadd.s32 s1, s30  }
0xbb: {  	s0 =	sor.u32 s3, s0;
	s1 =	sshll.u32 s1, $0x11  }
0xbc: {  	s0 =	sor.u32 s1, s0  }
0xbd: {  	s0 =	sadd.s32 $0x8F2B, s0  }
0xbe: {  	[sflag:s0] =	ssyncadd.remote.s32 $0x1  }
0xbf: {  	_ =	sfence.sel $0xFFFF  }
0xc0: {  	[dreg:$0x0] =	wrdreg $0xFFFFFFFF;
	(pc) =	sbr.abs _section_cstart, $3  }
0xc1: {  	[dreg:$0x1] =	wrdreg $0xFFFFFFFF  }
0xc2: {  	_ =	task.clear_ibuf [dreg:s7], $0x2FFFF;
	_ =	strace $0x9FFFFFFF  }
0xc3: {  	(tm) =	ssettm $0x7FFFFFFF  }
tec
execute0_lowered:
.L_overlay_start_1:
0x0: {  	(tag) =	ssettag $0x1  }
0x1: {  	s5 =	rddreg [dreg:$0x0]  }
0x2: {  	s14 =	rddreg [dreg:$0x1]  }
0x3: {  	s1 =	rddreg [dreg:$0x2]  }
0x4: {  	s0 =	rddreg [dreg:$0x3];
	s3 =	simm.s32 $0x0  }
0x5: {  	s4 =	srdreg.scid;
	s2 =	stileid.u32;
	s17 =	simm.s32 $0x4E20  }
0x6: {  	s18 =	simm.s32 $0x80;
	s19 =	simm.s32 $0x10;
	s20 =	simm.s32 $0x2700  }
0x7: {  	s21 =	simm.s32 $0x4E10;
	s23 =	simm.s32 $0x0;
	s6 =	smul.u32 $0x4E2, s2  }
0x8: {  	[smem:$0x7FF] =	sst s3;
	s7 =	sand.u32 $0x1, s4;
	s12 =	smul.u32 $0x13880, s2  }
0x9: {  	s4 =	sadd.s32 $0xB600, s5;
	s15 =	sadd.s32 $0x32800, s5;
	s31 =	smul.u32 $0x4E200, s2  }
0xa: {  	_ =	strace $0x8000004A;
	s8 =	ssub.s32 $0x2, s7;
	p0 =	seq.s32 s7, $0x1  }
0xb: {  	p1 =	seq.s32 s7, $0x0;
	s11 =	smov.u32 s15;
	s9 =	sshrl.u32 s8, $0x1  }
0xc: {  	s6 =	sadd.s32 s6, s5;
	s13 =	sadd.s32 $0x138800, s12;
	s22 =	sadd.s32 s12, s1  }
0xd: {  	s11 =	smov.u32 @p1 s4;
	s4 =	smov.u32 @p0 s15;
	s15 =	simm.s32 $0x1  }
0xe: {  	s8 =	ssub.s32 s8, s9;
	s5 =	sadd.s32 $0x6600, s6;
	s6 =	sadd.s32 $0x1600, s6  }
0xf: {  	s9 =	sshrl.u32 s31, $0x2;
	s13 =	smov.u32 @p1 s12;
	s22 =	sshrl.u32 s22, $0x3  }
0x10: {  	s7 =	smax.u32 s8, $0x1;
	s8 =	sadd.s32 s9, s1;
	s16 =	sshrl.u32 s13, $0x3  }
0x11: {  	s9 =	sadd.s32 $0x3E80, s8;
	s10 =	sadd.s32 $0x7D00, s8;
	s12 =	sadd.s32 $0xBB80, s8  }
0x12: {  	v0 =	vimm.f32 $0.0e+00;
	s13 =	sadd.s32 $0xFA00, s8;
	s14 =	sadd.s32 s14, s16;
	s16 =	simm.s32 $0x2710  }
.LBB2_1:
0x13: {  	[tilespmem:s3], [sflag:$0x1] =	stream.linear.gather [hbm4b:s5+s3], $0x2710, $0x38;
	[tilespmem:$0x1C6A0] =	vst v63  }
0x14: {  	_ =	swait.ge [sflag:s15], $0x2710  }
0x15: {  	[sflag:s15] =	ssyncset.done $0x0  }
0x16: {  	[sflag:s15] =	ssyncadd.s32 $0xFFFFD8F0  }
0x17: {  	[tilespmem:s16], [sflag:$0x1] =	stream.linear.gather [hbm4b:s6+s3], $0x2710, $0x38;
	[tilespmem:$0x1C6A0] =	vst v63  }
0x18: {  	_ =	swait.ge [sflag:s15], $0x2710  }
0x19: {  	[sflag:s15] =	ssyncset.done $0x0  }
0x1a: {  	s24 =	simm.s32 $0x0;
	s25 =	simm.s32 $0x200;
	[sflag:s15] =	ssyncadd.s32 $0xFFFFD8F0  }
.LBB2_2:
0x1b: {  	p0 =	sne.s32 s25, $0xFE00;
	[tilespmem:s24+$0x4E90] =	vst v0  }
0x1c: {  	[tilespmem:s24+$0x4E20] =	vst v0  }
0x1d: {  	[tilespmem:s24+$0x4E30] =	vst v0  }
.Ltmp0:
0x1e: {  	[tilespmem:s24+$0x4E40] =	vst v0;
	(pc) =	sbr.rel @p0 .LBB2_2-.Ltmp0, $4  }
0x1f: {  	[tilespmem:s24+$0x4E50] =	vst v0  }
0x20: {  	[tilespmem:s24+$0x4E60] =	vst v0  }
0x21: {  	[tilespmem:s24+$0x4E70] =	vst v0  }
0x22: {  	[tilespmem:s24+$0x4E80] =	vst v0;
	s24 =	sshra.s32 s25, $0x2;
	s25 =	sadd.s32 $0x200, s25  }
0x23: {  	[tilespmem:s24+$0x4E90] =	vst v0  }
0x24: {  	[tilespmem:s24+$0x4E20] =	vst v0  }
0x25: {  	[tilespmem:s24+$0x4E30] =	vst v0  }
0x26: {  	[tilespmem:s24+$0x4E40] =	vst v0  }
0x27: {  	[tilespmem:s24+$0x4E50] =	vst v0  }
0x28: {  	[tilespmem:s24+$0x4E60] =	vst v0  }
0x29: {  	[tilespmem:s24+$0x4E70] =	vst v0  }
0x2a: {  	[tilespmem:s24+$0x4E80] =	vst v0  }
0x2b: {  	[spmem:s8] =	stream.linear.scatter [tilespmem:s17], [sflag:$0x1], $0x3E80, $0x38;
	[tilespmem:$0x1C6A0] =	vst v63  }
0x2c: {  	_ =	swait.ge [sflag:s15], $0x3E80  }
0x2d: {  	[sflag:s15] =	ssyncset.done $0x0  }
0x2e: {  	[sflag:s15] =	ssyncadd.s32 $0xFFFFC180  }
0x2f: {  	[spmem:s9] =	stream.linear.scatter [tilespmem:s17], [sflag:$0x1], $0x3E80, $0x38;
	[tilespmem:$0x1C6A0] =	vst v63  }
0x30: {  	_ =	swait.ge [sflag:s15], $0x3E80  }
0x31: {  	[sflag:s15] =	ssyncset.done $0x0  }
0x32: {  	[sflag:s15] =	ssyncadd.s32 $0xFFFFC180  }
0x33: {  	[spmem:s10] =	stream.linear.scatter [tilespmem:s17], [sflag:$0x1], $0x3E80, $0x38;
	[tilespmem:$0x1C6A0] =	vst v63  }
0x34: {  	_ =	swait.ge [sflag:s15], $0x3E80  }
0x35: {  	[sflag:s15] =	ssyncset.done $0x0  }
0x36: {  	[sflag:s15] =	ssyncadd.s32 $0xFFFFC180  }
0x37: {  	[spmem:s12] =	stream.linear.scatter [tilespmem:s17], [sflag:$0x1], $0x3E80, $0x38;
	[tilespmem:$0x1C6A0] =	vst v63  }
0x38: {  	_ =	swait.ge [sflag:s15], $0x3E80  }
0x39: {  	[sflag:s15] =	ssyncset.done $0x0  }
0x3a: {  	[sflag:s15] =	ssyncadd.s32 $0xFFFFC180  }
0x3b: {  	[spmem:s13] =	stream.linear.scatter [tilespmem:s17], [sflag:$0x1], $0x3E80, $0x38;
	[tilespmem:$0x1C6A0] =	vst v63  }
0x3c: {  	_ =	swait.ge [sflag:s15], $0x3E80  }
0x3d: {  	[sflag:s15] =	ssyncset.done $0x0  }
0x3e: {  	[sflag:s15] =	ssyncadd.s32 $0xFFFFC180  }
0x3f: {  	s30 =	simm.s32 $0x0;
	[bflag:$0x0] =	sbarrier.arrive $0xFFFF  }
0x40: {  	[tilespmem:s17], [sflag:$0x1] =	stream.indirect.gather [hbm4b:s4+s18], $0x80, s30, s18, $0xb8;
	[tilespmem:$0x1C6A0] =	vst v63  }
0x41: {  	_ =	swait.ge [sflag:s15], $0x4000  }
0x42: {  	[sflag:s15] =	ssyncset.done $0x0  }
0x43: {  	s31 =	simm.s32 $0x2710;
	[sflag:s15] =	ssyncadd.s32 $0xFFFFC000  }
0x44: {  	[spmem:s1] =	stream.indirect.scatter.add.f32 [tilespmem:s17], [sflag:$0x1], $0x80, s31, s18, $0xb8;
	[tilespmem:$0x1C6A0] =	vst v63  }
0x45: {  	_ =	swait.ge [sflag:s15], $0x4000  }
0x46: {  	s24 =	simm.s32 $0x200;
	s25 =	simm.s32 $0x400;
	[sflag:s15] =	ssyncset.done $0x0  }
.LBB2_4:
0x47: {  	s26 =	sshra.s32 s24, $0x2  }
0x48: {  	[sflag:s15] =	ssyncadd.s32 $0xFFFFC000;
	s24 =	smov.u32 s25;
	s28 =	sadd.s32 $0x200, s25  }
0x49: {  	[tilespmem:s17], [sflag:$0x1] =	stream.indirect.gather [hbm4b:s4+s18], $0x80, s26, s18, $0xb8;
	[tilespmem:$0x1C6A0] =	vst v63  }
0x4a: {  	p0 =	sne.s32 s25, $0x9A00;
	_ =	swait.ge [sflag:s15], $0x4000  }
.Ltmp1:
0x4b: {  	[sflag:s15] =	ssyncset.done $0x0;
	(pc) =	sbr.rel @p0 .LBB2_4-.Ltmp1, $4  }
0x4c: {  	s25 =	sadd.s32 $0x2710, s26;
	[sflag:s15] =	ssyncadd.s32 $0xFFFFC000  }
0x4d: {  	[spmem:s1] =	stream.indirect.scatter.add.f32 [tilespmem:s17], [sflag:$0x1], $0x80, s25, s18, $0xb8;
	[tilespmem:$0x1C6A0] =	vst v63  }
0x4e: {  	_ =	swait.ge [sflag:s15], $0x4000  }
0x4f: {  	s25 =	smov.u32 s28;
	[sflag:s15] =	ssyncset.done $0x0  }
0x50: {  	s24 =	sshra.s32 s24, $0x2;
	[sflag:s15] =	ssyncadd.s32 $0xFFFFC000  }
0x51: {  	[tilespmem:s17], [sflag:$0x1] =	stream.indirect.gather [hbm4b:s4+s18], $0x80, s24, s18, $0xb8;
	[tilespmem:$0x1C6A0] =	vst v63  }
0x52: {  	_ =	swait.ge [sflag:s15], $0x4000  }
0x53: {  	[sflag:s15] =	ssyncset.done $0x0  }
0x54: {  	s24 =	sadd.s32 $0x2710, s24;
	[sflag:s15] =	ssyncadd.s32 $0xFFFFC000  }
0x55: {  	[spmem:s1] =	stream.indirect.scatter.add.f32 [tilespmem:s17], [sflag:$0x1], $0x80, s24, s18, $0xb8;
	[tilespmem:$0x1C6A0] =	vst v63  }
0x56: {  	_ =	swait.ge [sflag:s15], $0x4000  }
0x57: {  	[sflag:s15] =	ssyncset.done $0x0  }
0x58: {  	[sflag:s15] =	ssyncadd.s32 $0xFFFFC000  }
0x59: {  	[tilespmem:s17], [sflag:$0x1] =	stream.indirect.gather [hbm4b:s11+s19], $0x80, s20, s19, $0xb8;
	[tilespmem:$0x1C6A0] =	vst v63  }
0x5a: {  	_ =	swait.ge [sflag:s15], $0x800  }
0x5b: {  	[sflag:s15] =	ssyncset.done $0x0  }
0x5c: {  	[sflag:s15] =	ssyncadd.s32 $0xFFFFF800  }
0x5d: {  	[spmem:s1] =	stream.indirect.scatter.add.f32 [tilespmem:s17], [sflag:$0x1], $0x80, s21, s19, $0xb8;
	[tilespmem:$0x1C6A0] =	vst v63  }
0x5e: {  	_ =	swait.ge [sflag:s15], $0x800  }
0x5f: {  	s23 =	sadd.s32 $0x1, s23;
	[sflag:s15] =	ssyncset.done $0x0  }
0x60: {  	s31 =	sshll.u32 s2, $0x6;
	p0 =	sne.s32 s23, s7;
	[sflag:s15] =	ssyncadd.s32 $0xFFFFF800  }
.Ltmp2:
0x61: {  	s24 =	sor.u32 $0x1C01, s31;
	[bflag:$0x0] =	sbarrier.arrive $0xFFFF;
	(pc) =	sbr.rel @p0 .LBB2_1-.Ltmp2, $4  }
0x62: {  	[hbm:s14], [sflag:s24] =	dma.local [spmem:s22], $0x2710  }
0x63: {  	_ =	swait.ge [sflag:s15], $0x2710  }
0x64: {  	[sflag:s15] =	ssyncset.done $0x0  }
0x65: {  	[sflag:s15] =	ssyncadd.s32 $0xFFFFD8F0  }
0x66: {  	_ =	sfence.sel $0x180000  }
0x67: {  	[bflag:$0x0] =	sbarrier.arrive $0xFFFF  }
0x68: {  	p0 =	sne.s32 s2, $0x0;
	_ =	strace $0x9000004A  }
0x69: {  	s0 =	sadd.s32 @!p0 $0x100000, s0;
	[bflag:$0x2] =	sbarrier.arrive $0xFFFF  }
0x6a: {  	[sflag:s0] =	ssyncadd.tile.s32 @!p0 $0x1;
	_ =	shalt  }
.Lfunc_end2:
_tile_overlayer_lowered:
.L_overlay_start_2:
0x6b: {  	(tag) =	ssettag $0x2  }
0x6c: {  	s0 =	rddreg [dreg:$0x0];
	s2 =	stileid.u32  }
0x6d: {  	s1 =	rddreg [dreg:$0x1];
	p0 =	sne.s32 s2, $0x0  }
0x6e: {  	s3 =	rddreg [dreg:$0x2];
	[bflag:$0x3] =	sbarrier.arrive $0xFFFF;
	s2 =	simm.s32 @!p0 $0x1C01  }
0x6f: {  	[timem:s3], [sflag:s2] =	dma.local @!p0 [hbm:s0], s1  }
0x70: {  	s0 =	simm.s32 @!p0 $0x1  }
0x71: {  	_ =	swait.ge @!p0 [sflag:s0], s1  }
0x72: {  	s1 =	ssub.s32 @!p0 $0x0, s1;
	[sflag:s0] =	ssyncset.done @!p0 $0x0  }
0x73: {  	[sflag:s0] =	ssyncadd.s32 @!p0 s1  }
0x74: {  	[bflag:$0x3] =	sbarrier.arrive $0xFFFF  }
0x75: {  	_ =	shalt  }

// kernel: kernel.7.cloned.1.call-start
scs
__scs_entry_jumppad:
0x0: {  	(pc) =	sbr.rel $0x88, $3  }
0x1: {  	(tag) =	ssettag $0x0;
	lr =	simm.s32 $0x1  }
0x2: {  	[smem:$0x3F9D] =	sst lr;
	_ =	strace $0xD0000000  }
0x3: {  	_ = 	snop  }
0x4: {  	_ = 	snop  }
0x5: {  	_ = 	snop  }
0x6: {  	_ = 	snop  }
0x7: {  	_ = 	snop  }
__scs_overlays_trampoline_lowered:
0x8: {  	[smem:$0x3FAC] =	sst s0  }
0x9: {  	[smem:$0x3FAD] =	sst s1  }
0xa: {  	[smem:$0x3FAE] =	sst s2  }
0xb: {  	[smem:$0x3FAF] =	sst s3  }
0xc: {  	[smem:$0x3FB0] =	sst s4  }
0xd: {  	[smem:$0x3FB1] =	sst s5  }
0xe: {  	[smem:$0x3FB2] =	sst s6  }
0xf: {  	[smem:$0x3FB3] =	sst s7  }
0x10: {  	[smem:$0x3FB4] =	sst s8  }
0x11: {  	[smem:$0x3FB5] =	sst s9;
	s0 =	simm.s32 @!p0 $0x0  }
0x12: {  	s1 =	sld [smem:$0x3F9B];
	s0 =	simm.s32 @p0 $0x1  }
0x13: {  	[smem:$0x3FB6] =	sst s0;
	s0 =	simm.s32 @!p1 $0x0  }
0x14: {  	s2 =	sld [smem:$0x3F9A];
	s0 =	simm.s32 @p1 $0x1  }
0x15: {  	[smem:$0x3FB7] =	sst s0;
	s0 =	simm.s32 @!p2 $0x0  }
0x16: {  	s3 =	sld [smem:$0x3FDB];
	s0 =	simm.s32 @p2 $0x1  }
0x17: {  	s4 =	simm.s32 $0x1BF5;
	[smem:$0x3FB9] =	sst s0  }
0x18: {  	s0 =	sld [smem:$0x3F9C];
	_ =	swait.ge [sflag:s4], $0x0  }
0x19: {  	s7 =	sld [smem:$0x3F9D]  }
0x1a: {  	s8 =	sadd.s32 $0xFFFFE003, lr  }
0x1b: {  	s9 =	sadd.s32 $0xFFFFFEF7, lr;
	s5 =	simm.s32 $0xFFFFFFFF;
	p2 =	slt.u32 s8, $0xFFFFF086  }
0x1c: {  	p1 =	slt.u32 s9, $0xF7A;
	s5 =	simm.s32 @!p2 $0x0  }
0x1d: {  	s5 =	simm.s32 @p1 $0x1;
	p0 =	seq.s32 s7, s2  }
0x1e: {  	s7 =	smul.u32 @!p0 $0xF7A, s2;
	p2 =	seq.s32 @!p0 s5, $0x0  }
0x1f: {  	s9 =	smul.u32 $0xF7A, s1;
	s8 =	simm.s32 @!p0 $0x1BF5;
	p2 =	por !p2, p0  }
0x20: {  	[sflag:s8] =	ssyncset.s32 @!p0 $0xFFFFF086;
	s6 =	sadd.s32 @!p0 s3, s7;
	s7 =	simm.s32 @!p0 $0x108  }
0x21: {  	s3 =	sadd.s32 s3, s9;
	s6 =	sadd.s32 @!p0 $0x88, s6;
	s7 =	simm.s32 @p2 $0x1082  }
0x22: {  	[simem:s7], [sflag:s8] =	dma.local @!p0 [hbm:s6], $0xF7A  }
0x23: {  	s9 =	sor.u32 $0xD0000000, s2;
	s6 =	simm.s32 $0x108;
	_ =	swait.ge @!p0 [sflag:s8], $0x0  }
0x24: {  	s3 =	sadd.s32 $0x88, s3;
	s6 =	simm.s32 @!p1 $0x1082;
	[sflag:s4] =	ssyncset.s32 $0xFFFFF086  }
0x25: {  	[simem:s6], [sflag:s4] =	dma.local [hbm:s3], $0xF7A  }
0x26: {  	[smem:$0x3F9D] =	sst s1;
	(tag) =	ssettag s2;
	_ =	strace s9  }
0x27: {  	s1 =	sld [smem:$0x3FAD]  }
0x28: {  	s2 =	sld [smem:$0x3FAE]  }
0x29: {  	s4 =	sld [smem:$0x3FB0]  }
0x2a: {  	p0 =	seq.s32 s5, $0x0;
	s5 =	sld [smem:$0x3FB1]  }
0x2b: {  	s6 =	sld [smem:$0x3FB2]  }
0x2c: {  	s7 =	sld [smem:$0x3FB3]  }
0x2d: {  	s3 =	simm.s32 $0x108;
	s8 =	sld [smem:$0x3FB4]  }
0x2e: {  	s3 =	simm.s32 @!p0 $0x1082;
	s9 =	sld [smem:$0x3FB5]  }
0x2f: {  	lr =	sadd.s32 s0, s3;
	s0 =	sld [smem:$0x3FAC]  }
0x30: {  	s3 =	sld [smem:$0x3FAF]  }
0x31: {  	[smem:$0x3FB8] =	sst s10  }
0x32: {  	s10 =	sld [smem:$0x3FB6];
	_ =	sdelay $0x3  }
0x33: {  	p0 =	seq.s32 s10, $0x1;
	s10 =	sld [smem:$0x3FB8];
	_ =	sdelay $0x3  }
0x34: {  	[smem:$0x3FB8] =	sst s10  }
0x35: {  	s10 =	sld [smem:$0x3FB7];
	_ =	sdelay $0x3  }
0x36: {  	p1 =	seq.s32 s10, $0x1;
	s10 =	sld [smem:$0x3FB8];
	_ =	sdelay $0x3  }
0x37: {  	[smem:$0x3FB8] =	sst s10  }
0x38: {  	s10 =	sld [smem:$0x3FB9]  }
0x39: {  	_ = 	snop;
	(pc) =	sbr.ind lr, $3  }
0x3a: {  	_ = 	snop  }
0x3b: {  	_ = 	snop  }
0x3c: {  	p2 =	seq.s32 s10, $0x1;
	s10 =	sld [smem:$0x3FB8]  }
0x3d: {  	_ =	shalt  }
0x3e: {  	_ =	shalt  }
0x3f: {  	_ =	shalt  }
0x40: {  	_ =	shalt  }
0x41: {  	_ =	shalt  }
0x42: {  	_ =	shalt  }
0x43: {  	_ =	shalt  }
0x44: {  	_ =	shalt  }
0x45: {  	_ =	shalt  }
0x46: {  	_ =	shalt  }
0x47: {  	_ =	shalt  }
0x48: {  	_ =	shalt  }
0x49: {  	_ =	shalt  }
0x4a: {  	_ =	shalt  }
0x4b: {  	_ =	shalt  }
0x4c: {  	_ =	shalt  }
0x4d: {  	_ =	shalt  }
0x4e: {  	_ =	shalt  }
0x4f: {  	_ =	shalt  }
0x50: {  	_ =	shalt  }
0x51: {  	_ =	shalt  }
0x52: {  	_ =	shalt  }
0x53: {  	_ =	shalt  }
0x54: {  	_ =	shalt  }
0x55: {  	_ =	shalt  }
0x56: {  	_ =	shalt  }
0x57: {  	_ =	shalt  }
0x58: {  	_ =	shalt  }
0x59: {  	_ =	shalt  }
0x5a: {  	_ =	shalt  }
0x5b: {  	_ =	shalt  }
0x5c: {  	_ =	shalt  }
0x5d: {  	_ =	shalt  }
0x5e: {  	_ =	shalt  }
0x5f: {  	_ =	shalt  }
0x60: {  	_ =	shalt  }
0x61: {  	_ =	shalt  }
0x62: {  	_ =	shalt  }
0x63: {  	_ =	shalt  }
0x64: {  	_ =	shalt  }
0x65: {  	_ =	shalt  }
0x66: {  	_ =	shalt  }
0x67: {  	_ =	shalt  }
0x68: {  	_ =	shalt  }
0x69: {  	_ =	shalt  }
0x6a: {  	_ =	shalt  }
0x6b: {  	_ =	shalt  }
0x6c: {  	_ =	shalt  }
0x6d: {  	_ =	shalt  }
0x6e: {  	_ =	shalt  }
0x6f: {  	_ =	shalt  }
0x70: {  	_ =	shalt  }
0x71: {  	_ =	shalt  }
0x72: {  	_ =	shalt  }
0x73: {  	_ =	shalt  }
0x74: {  	_ =	shalt  }
0x75: {  	_ =	shalt  }
0x76: {  	_ =	shalt  }
0x77: {  	_ =	shalt  }
0x78: {  	_ =	shalt  }
0x79: {  	_ =	shalt  }
0x7a: {  	_ =	shalt  }
0x7b: {  	_ =	shalt  }
0x7c: {  	_ =	shalt  }
0x7d: {  	_ =	shalt  }
0x7e: {  	_ =	shalt  }
0x7f: {  	_ =	shalt  }
0x80: {  	_ =	shalt  }
0x81: {  	_ =	shalt  }
0x82: {  	_ =	shalt  }
0x83: {  	_ =	shalt  }
0x84: {  	_ =	shalt  }
0x85: {  	_ =	shalt  }
0x86: {  	_ =	shalt  }
0x87: {  	_ =	shalt  }
.Lfunc_end0:
.L_simem_size_0:
called_computation_lowered:
.L_overlay_start_0:
0x88: {  	s2 =	sld [smem:$0x3FD9]  }
0x89: {  	s3 =	sld [smem:$0x3FFE];
	_ =	sdelay $0x1  }
0x8a: {  	s1 =	srdreg.scid  }
0x8b: {  	s0 =	sand.u32 $0x1, s1  }
0x8c: {  	s17 =	sshll.u32 s0, $0xA;
	s2 =	sadd.s32 s3, s2  }
0x8d: {  	s2 =	sadd.s32 s2, s17  }
0x8e: {  	[smem:$0x3FC4] =	sst s2  }
0x8f: {  	_ = 	snop  }
0x90: {  	s2 =	sld [smem:$0x3FD0];
	(tm) =	ssettm $0x1  }
0x91: {  	s18 =	sld [smem:$0x3FFB];
	_ =	sdelay $0x3  }
0x92: {  	_ =	strace s18  }
0x93: {  	s3 =	sld [smem:$0x3FFC];
	_ =	sdelay $0x3  }
0x94: {  	_ =	strace s3  }
0x95: {  	s3 =	sld [smem:$0x3FFD];
	_ =	sdelay $0x3  }
0x96: {  	_ =	strace s3  }
0x97: {  	_ =	strace $0x8FFFFFFF  }
0x98: {  	s19 =	sld [smem:$0x3FDB];
	_ =	sdelay $0x1  }
0x99: {  	s4 =	simm.s32 $_scs_section_size  }
0x9a: {  	s5 =	simm.s32 $_size__tile_overlayer_lowered;
	s6 =	simm.s32 $_tile_overlayer_lowered  }
0x9b: {  	s22 =	simm.s32 $0x1BFF;
	s21 =	sshll.u32 s6, $0x1;
	s3 =	sadd.s32 s4, s19  }
0x9c: {  	s7 =	simm.s32 $0x0;
	s20 =	sshll.u32 s5, $0x1;
	s5 =	sadd.s32 s21, s3  }
0x9d: {  	[timem:s7], [sflag:s22] =	dma.local [hbm:s5], s20  }
0x9e: {  	_ =	swait.ge [sflag:s22], s20  }
0x9f: {  	s4 =	ssub.s32 $0x0, s20;
	[sflag:s22] =	ssyncset.done $0x0  }
0xa0: {  	[sflag:s22] =	ssyncadd.s32 s4;
	_ =	sdelay $0x1  }
0xa1: {  	s23 =	simm.s32 $0x1B8B  }
0xa2: {  	_ =	swait.ge [sflag:s23], $0x1  }
0xa3: {  	[sflag:s23] =	ssyncset.done $0x0  }
0xa4: {  	s25 =	simm.s32 $0x1B8E;
	s24 =	sld [smem:$0x3FFE];
	[sflag:s23] =	ssyncadd.s32 $0xFFFFFFFF  }
0xa5: {  	s26 =	simm.s32 $execute0_lowered;
	[smem:$0x3FD2] =	sst s25  }
0xa6: {  	s5 =	sshll.u32 s26, $0x1;
	_ =	strace $0x80000046;
	[dreg:$0x1] =	wrdreg $0xFFFFFFFF  }
0xa7: {  	s28 =	simm.s32 $_size_execute0_lowered;
	s3 =	sadd.s32 s3, s5;
	[dreg:$0x0] =	wrdreg $0x0  }
0xa8: {  	s5 =	sshll.u32 s28, $0x1;
	[dreg:$0x2] =	wrdreg s3  }
0xa9: {  	[dreg:$0x3] =	wrdreg s5  }
0xaa: {  	[dreg:$0x4] =	wrdreg $0xC0  }
0xab: {  	_ =	task [dreg:s7], $0x5FFFF  }
0xac: {  	[dreg:$0x1] =	wrdreg $0xFFFFFFFF  }
0xad: {  	[dreg:$0x0] =	wrdreg $0x60  }
0xae: {  	[dreg:$0x2] =	wrdreg s24  }
0xaf: {  	[dreg:$0x3] =	wrdreg s2  }
0xb0: {  	[dreg:$0x4] =	wrdreg $0x9E200  }
0xb1: {  	[dreg:$0x5] =	wrdreg $0x1D6A00  }
0xb2: {  	[dreg:$0x6] =	wrdreg $0x9  }
0xb3: {  	_ =	task.clear_ibuf [dreg:s7], $0x7FFFF;
	_ =	strace $0x90000046  }
0xb4: {  	s29 =	simm.s32 $0x9;
	_ =	strace $0x80000048  }
0xb5: {  	_ =	swait.ge [sflag:s29], $0x1  }
0xb6: {  	[sflag:s29] =	ssyncadd.s32 $0xFFFFFFFF  }
0xb7: {  	_ =	strace $0x90000048  }
0xb8: {  	_ =	sfence  }
0xb9: {  	s30 =	sld [smem:$0x0];
	_ =	sdelay $0x2  }
0xba: {  	s31 =	sshll.u32 s1, $0xD;
	s1 =	sshrl.u32 s1, $0x2  }
0xbb: {  	s3 =	sand.u32 $0x4000, s31;
	s1 =	sadd.s32 s1, s30  }
0xbc: {  	s0 =	sor.u32 s3, s0;
	s1 =	sshll.u32 s1, $0x11  }
0xbd: {  	s0 =	sor.u32 s1, s0  }
0xbe: {  	s0 =	sadd.s32 $0x8F2B, s0  }
0xbf: {  	[sflag:s0] =	ssyncadd.remote.s32 $0x1  }
0xc0: {  	_ =	sfence.sel $0xFFFF  }
0xc1: {  	[dreg:$0x0] =	wrdreg $0xFFFFFFFF;
	(pc) =	sbr.abs _section_cstart, $3  }
0xc2: {  	[dreg:$0x1] =	wrdreg $0xFFFFFFFF  }
0xc3: {  	_ =	task.clear_ibuf [dreg:s7], $0x2FFFF;
	_ =	strace $0x9FFFFFFF  }
0xc4: {  	(tm) =	ssettm $0x7FFFFFFF  }
0xc5: {  	_ =	shalt  }
tec
execute0_lowered:
.L_overlay_start_1:
0x0: {  	(tag) =	ssettag $0x1  }
0x1: {  	s0 =	rddreg [dreg:$0x0]  }
0x2: {  	s2 =	rddreg [dreg:$0x1]  }
0x3: {  	s1 =	rddreg [dreg:$0x2];
	s12 =	stileid.u32  }
0x4: {  	s3 =	rddreg [dreg:$0x3];
	s4 =	simm.s32 $0x0;
	s21 =	smul.u32 $0x4E2, s12  }
0x5: {  	s5 =	srdreg.scid;
	s28 =	simm.s32 $0x4E20;
	s7 =	smul.u32 $0x2710, s12  }
0x6: {  	s29 =	simm.s32 $0x80;
	s30 =	simm.s32 $0x0;
	s9 =	smul.u32 $0x13880, s12  }
0x7: {  	[smem:$0x7FF] =	sst s4;
	s26 =	sadd.s32 $0xB600, s0;
	s16 =	smul.u32 $0x271, s12  }
0x8: {  	s5 =	sand.u32 $0x1, s5;
	s6 =	sadd.s32 $0x32800, s0;
	s19 =	smul.u32 $0x9C40, s12  }
0x9: {  	_ =	strace $0x80000047;
	s8 =	ssub.s32 $0x2, s5;
	p0 =	sne.s32 s5, $0x0  }
0xa: {  	s4 =	sadd.s32 s21, s0;
	s10 =	sshrl.u32 s7, $0x3;
	s11 =	sshrl.u32 s8, $0x1  }
0xb: {  	s23 =	sshrl.u32 s9, $0x3;
	s0 =	sadd.s32 s10, s0;
	s22 =	ssub.s32 s8, s11  }
0xc: {  	s24 =	sadd.s32 $0x6600, s4;
	s8 =	sadd.s32 s2, s23;
	s25 =	sadd.s32 $0x1600, s4  }
0xd: {  	s4 =	smul.u32 $0x4E200, s12;
	s11 =	sadd.s32 s9, s1;
	[dreg:$0x5] =	wrdreg s24  }
0xe: {  	s9 =	sadd.s32 $0x7D, s16;
	[dreg:$0x6] =	wrdreg s25;
	s31 =	sadd.s32 $0x27100, s8  }
0xf: {  	s0 =	sadd.s32 $0x59A00, s0;
	s13 =	smax.u32 s22, $0x1;
	s23 =	sshll.u32 s9, $0x7  }
0x10: {  	s24 =	sadd.s32 $0xFA, s16;
	s22 =	sadd.s32 $0x1F4, s16;
	[dreg:$0x7] =	wrdreg s31  }
0x11: {  	[dreg:$0x8] =	wrdreg s0;
	s0 =	sadd.s32 s7, s3;
	s2 =	sshrl.u32 s4, $0x2  }
0x12: {  	s15 =	sadd.s32 s23, s1;
	s25 =	sshll.u32 s24, $0x7;
	s31 =	sadd.s32 $0x177, s16  }
0x13: {  	s21 =	sshll.u32 s22, $0x7;
	s23 =	sshrl.u32 s19, $0x2;
	s4 =	sshll.u32 s9, $0x4  }
0x14: {  	s24 =	sshll.u32 s24, $0x4;
	s14 =	sadd.s32 s2, s1;
	s20 =	sshll.u32 s31, $0x7  }
0x15: {  	s16 =	sadd.s32 s25, s1;
	s18 =	sadd.s32 s21, s1;
	s19 =	sadd.s32 s23, s3  }
0x16: {  	s21 =	sadd.s32 s24, s3;
	s25 =	sshll.u32 s31, $0x4;
	s31 =	sshll.u32 s22, $0x4  }
0x17: {  	v0 =	vimm.f32 $0.0e+00;
	vm0 =	vcmask $0x300;
	s24 =	simm.s32 $0x1;
	s17 =	sadd.s32 s20, s1;
	s20 =	sadd.s32 s4, s3  }
0x18: {  	v1 =	vsel vm0, $0x3F800000, v0;
	s22 =	sadd.s32 s25, s3;
	s23 =	sadd.s32 s31, s3;
	s25 =	sshrl.u32 @!p0 s0, $0x3  }
.LBB2_1:
0x19: {  	s0 =	simm.s32 $0x0;
	s2 =	rddreg [dreg:$0x5]  }
0x1a: {  	[tilespmem:s0], [sflag:$0x1] =	stream.linear.gather [hbm4b:s2+s0], $0x2710, $0x38;
	[tilespmem:$0x1FDB0] =	vst v63  }
0x1b: {  	_ =	swait.ge [sflag:s24], $0x2710  }
0x1c: {  	[sflag:s24] =	ssyncset.done $0x0  }
0x1d: {  	s4 =	simm.s32 $0x2710;
	s31 =	rddreg [dreg:$0x6];
	[sflag:s24] =	ssyncadd.s32 $0xFFFFD8F0  }
0x1e: {  	[tilespmem:s4], [sflag:$0x1] =	stream.linear.gather [hbm4b:s31+s0], $0x2710, $0x38;
	[tilespmem:$0x1FDB0] =	vst v63  }
0x1f: {  	_ =	swait.ge [sflag:s24], $0x2710  }
0x20: {  	[sflag:s24] =	ssyncset.done $0x0  }
0x21: {  	s0 =	simm.s32 $0x4E60;
	[sflag:s24] =	ssyncadd.s32 $0xFFFFD8F0  }
0x22: {  	[tilespmem:s0+$0x20] =	vst v0  }
0x23: {  	[tilespmem:s0+$0x10] =	vst v0  }
0x24: {  	[tilespmem:s0+$0x0] =	vst v0  }
0x25: {  	[tilespmem:s0+$0xFFFFFFF0] =	vst v0  }
0x26: {  	[tilespmem:s0+$0xFFFFFFE0] =	vst v0  }
0x27: {  	[tilespmem:s0+$0xFFFFFFD0] =	vst v0  }
0x28: {  	[tilespmem:s0+$0xFFFFFFC0] =	vst v0  }
0x29: {  	s5 =	simm.s32 $0x0;
	s4 =	simm.s32 $0x40;
	[tilespmem:s0+$0x30] =	vst v0  }
.LBB2_2:
0x2a: {  	p1 =	sne.s32 s4, $0x1FC0;
	[tilespmem:s5+$0x9620] =	vst v0  }
0x2b: {  	s0 =	sadd.s32 $0x80, s0;
	[tilespmem:s5+$0x8E20] =	vst v1  }
0x2c: {  	[tilespmem:s0+$0x20] =	vst v0  }
0x2d: {  	[tilespmem:s0+$0x10] =	vst v0  }
0x2e: {  	[tilespmem:s0+$0x0] =	vst v0  }
.Ltmp0:
0x2f: {  	[tilespmem:s0+$0xFFFFFFF0] =	vst v0;
	(pc) =	sbr.rel @p1 .LBB2_2-.Ltmp0, $4  }
0x30: {  	[tilespmem:s0+$0xFFFFFFE0] =	vst v0  }
0x31: {  	[tilespmem:s0+$0xFFFFFFD0] =	vst v0  }
0x32: {  	[tilespmem:s0+$0xFFFFFFC0] =	vst v0  }
0x33: {  	s5 =	sshra.s32 s4, $0x2;
	s4 =	sadd.s32 $0x40, s4;
	[tilespmem:s0+$0x30] =	vst v0  }
0x34: {  	[tilespmem:s5+$0x9620] =	vst v0  }
0x35: {  	[tilespmem:s5+$0x8E20] =	vst v1  }
0x36: {  	[spmem:s14] =	stream.linear.scatter [tilespmem:s28], [sflag:$0x1], $0x3E80, $0x38;
	[tilespmem:$0x1FDB0] =	vst v63  }
0x37: {  	_ =	swait.ge [sflag:s24], $0x3E80  }
0x38: {  	[sflag:s24] =	ssyncset.done $0x0  }
0x39: {  	[sflag:s24] =	ssyncadd.s32 $0xFFFFC180  }
0x3a: {  	[spmem:s15] =	stream.linear.scatter [tilespmem:s28], [sflag:$0x1], $0x3E80, $0x38;
	[tilespmem:$0x1FDB0] =	vst v63  }
0x3b: {  	_ =	swait.ge [sflag:s24], $0x3E80  }
0x3c: {  	[sflag:s24] =	ssyncset.done $0x0  }
0x3d: {  	[sflag:s24] =	ssyncadd.s32 $0xFFFFC180  }
0x3e: {  	[spmem:s16] =	stream.linear.scatter [tilespmem:s28], [sflag:$0x1], $0x3E80, $0x38;
	[tilespmem:$0x1FDB0] =	vst v63  }
0x3f: {  	_ =	swait.ge [sflag:s24], $0x3E80  }
0x40: {  	[sflag:s24] =	ssyncset.done $0x0  }
0x41: {  	[sflag:s24] =	ssyncadd.s32 $0xFFFFC180  }
0x42: {  	[spmem:s17] =	stream.linear.scatter [tilespmem:s28], [sflag:$0x1], $0x3E80, $0x38;
	[tilespmem:$0x1FDB0] =	vst v63  }
0x43: {  	_ =	swait.ge [sflag:s24], $0x3E80  }
0x44: {  	[sflag:s24] =	ssyncset.done $0x0  }
0x45: {  	[sflag:s24] =	ssyncadd.s32 $0xFFFFC180  }
0x46: {  	[spmem:s18] =	stream.linear.scatter [tilespmem:s28], [sflag:$0x1], $0x3E80, $0x38;
	[tilespmem:$0x1FDB0] =	vst v63  }
0x47: {  	_ =	swait.ge [sflag:s24], $0x3E80  }
0x48: {  	[sflag:s24] =	ssyncset.done $0x0  }
0x49: {  	s2 =	simm.s32 @!p0 $0x9620;
	s0 =	simm.s32 @!p0 $0x1;
	[sflag:s24] =	ssyncadd.s32 $0xFFFFC180  }
0x4a: {  	[spmem:s19] =	stream.linear.scatter @!p0 [tilespmem:s2], [sflag:$0x1], $0x7D0, $0x38;
	[tilespmem:$0x1FDB0] =	vst v63  }
0x4b: {  	_ =	swait.ge @!p0 [sflag:s0], $0x7D0  }
0x4c: {  	[sflag:s0] =	ssyncset.done @!p0 $0x0  }
0x4d: {  	[sflag:s0] =	ssyncadd.s32 @!p0 $0xFFFFF830  }
0x4e: {  	[spmem:s20] =	stream.linear.scatter @!p0 [tilespmem:s2], [sflag:$0x1], $0x7D0, $0x38;
	[tilespmem:$0x1FDB0] =	vst v63  }
0x4f: {  	_ =	swait.ge @!p0 [sflag:s0], $0x7D0  }
0x50: {  	[sflag:s0] =	ssyncset.done @!p0 $0x0  }
0x51: {  	[sflag:s0] =	ssyncadd.s32 @!p0 $0xFFFFF830  }
0x52: {  	[spmem:s21] =	stream.linear.scatter @!p0 [tilespmem:s2], [sflag:$0x1], $0x7D0, $0x38;
	[tilespmem:$0x1FDB0] =	vst v63  }
0x53: {  	_ =	swait.ge @!p0 [sflag:s0], $0x7D0  }
0x54: {  	[sflag:s0] =	ssyncset.done @!p0 $0x0  }
0x55: {  	[sflag:s0] =	ssyncadd.s32 @!p0 $0xFFFFF830  }
0x56: {  	[spmem:s22] =	stream.linear.scatter @!p0 [tilespmem:s2], [sflag:$0x1], $0x7D0, $0x38;
	[tilespmem:$0x1FDB0] =	vst v63  }
0x57: {  	_ =	swait.ge @!p0 [sflag:s0], $0x7D0  }
0x58: {  	[sflag:s0] =	ssyncset.done @!p0 $0x0  }
0x59: {  	[sflag:s0] =	ssyncadd.s32 @!p0 $0xFFFFF830  }
0x5a: {  	[spmem:s23] =	stream.linear.scatter @!p0 [tilespmem:s2], [sflag:$0x1], $0x7D0, $0x38;
	[tilespmem:$0x1FDB0] =	vst v63  }
0x5b: {  	_ =	swait.ge @!p0 [sflag:s0], $0x7D0  }
0x5c: {  	[sflag:s0] =	ssyncset.done @!p0 $0x0  }
0x5d: {  	s4 =	simm.s32 @!p0 $0x80;
	[sflag:s0] =	ssyncadd.s32 @!p0 $0xFFFFF830  }
0x5e: {  	s31 =	simm.s32 @!p0 $0x8E20;
	s2 =	simm.s32 @!p0 $0x2710;
	[bflag:$0x0] =	sbarrier.arrive $0xFFFF  }
0x5f: {  	[spmem:s3] =	stream.indirect.scatter.add.f32 @!p0 [tilespmem:s31], [sflag:$0x1], $0x10, s2, s4, $0xb8;
	[tilespmem:$0x1FDB0] =	vst v63  }
0x60: {  	_ =	swait.ge @!p0 [sflag:s0], $0x800  }
0x61: {  	s5 =	smov.u32 s26;
	[sflag:s0] =	ssyncset.done @!p0 $0x0  }
0x62: {  	s10 =	simm.s32 $0x0;
	s5 =	smov.u32 @p0 s6;
	[sflag:s0] =	ssyncadd.s32 @!p0 $0xFFFFF800  }
0x63: {  	[tilespmem:s28], [sflag:$0x1] =	stream.indirect.gather [hbm4b:s5+s29], $0x80, s10, s29, $0xb8;
	[tilespmem:$0x1FDB0] =	vst v63  }
0x64: {  	_ =	swait.ge [sflag:s24], $0x4000  }
0x65: {  	[sflag:s24] =	ssyncset.done $0x0  }
0x66: {  	s12 =	simm.s32 $0x2710;
	[sflag:s24] =	ssyncadd.s32 $0xFFFFC000  }
0x67: {  	[spmem:s1] =	stream.indirect.scatter.add.f32 [tilespmem:s28], [sflag:$0x1], $0x80, s12, s29, $0xb8;
	[tilespmem:$0x1FDB0] =	vst v63  }
0x68: {  	s7 =	simm.s32 $0x200;
	s9 =	simm.s32 $0x400;
	_ =	swait.ge [sflag:s24], $0x4000  }
0x69: {  	s2 =	simm.s32 @!p0 $0x80;
	s10 =	simm.s32 @!p0 $0x80;
	[sflag:s24] =	ssyncset.done $0x0  }
.LBB2_4:
0x6a: {  	s2 =	sadd.s32 @!p0 $0x2710, s2;
	[sflag:s24] =	ssyncadd.s32 $0xFFFFC000;
	s12 =	smov.u32 s9  }
0x6b: {  	[spmem:s3] =	stream.indirect.scatter.add.f32 @!p0 [tilespmem:s31], [sflag:$0x1], $0x10, s2, s10, $0xb8;
	[tilespmem:$0x1FDB0] =	vst v63  }
0x6c: {  	s9 =	sadd.s32 $0x200, s9;
	_ =	swait.ge @!p0 [sflag:s0], $0x800  }
0x6d: {  	p1 =	sne.s32 s9, $0x9C00;
	s10 =	smov.u32 s4;
	[sflag:s0] =	ssyncset.done @!p0 $0x0  }
0x6e: {  	s2 =	sshra.s32 s7, $0x2;
	[sflag:s0] =	ssyncadd.s32 @!p0 $0xFFFFF800  }
0x6f: {  	[tilespmem:s28], [sflag:$0x1] =	stream.indirect.gather [hbm4b:s5+s29], $0x80, s2, s29, $0xb8;
	[tilespmem:$0x1FDB0] =	vst v63  }
0x70: {  	s7 =	smov.u32 s12;
	_ =	swait.ge [sflag:s24], $0x4000  }
.Ltmp1:
0x71: {  	[sflag:s24] =	ssyncset.done $0x0;
	(pc) =	sbr.rel @p1 .LBB2_4-.Ltmp1, $4  }
0x72: {  	s2 =	sadd.s32 $0x2710, s2;
	[sflag:s24] =	ssyncadd.s32 $0xFFFFC000  }
0x73: {  	[spmem:s1] =	stream.indirect.scatter.add.f32 [tilespmem:s28], [sflag:$0x1], $0x80, s2, s29, $0xb8;
	[tilespmem:$0x1FDB0] =	vst v63  }
0x74: {  	_ =	swait.ge [sflag:s24], $0x4000  }
0x75: {  	s2 =	sshra.s32 @!p0 s7, $0x2;
	[sflag:s24] =	ssyncset.done $0x0  }
0x76: {  	s2 =	sadd.s32 @!p0 $0x2710, s2;
	[sflag:s24] =	ssyncadd.s32 $0xFFFFC000  }
0x77: {  	[spmem:s3] =	stream.indirect.scatter.add.f32 @!p0 [tilespmem:s31], [sflag:$0x1], $0x10, s2, s10, $0xb8;
	[tilespmem:$0x1FDB0] =	vst v63  }
0x78: {  	_ =	swait.ge @!p0 [sflag:s0], $0x800  }
0x79: {  	[sflag:s0] =	ssyncset.done @!p0 $0x0  }
0x7a: {  	s12 =	sshra.s32 s7, $0x2;
	[sflag:s0] =	ssyncadd.s32 @!p0 $0xFFFFF800  }
0x7b: {  	[tilespmem:s28], [sflag:$0x1] =	stream.indirect.gather [hbm4b:s5+s29], $0x80, s12, s29, $0xb8;
	[tilespmem:$0x1FDB0] =	vst v63  }
0x7c: {  	_ =	swait.ge [sflag:s24], $0x4000  }
0x7d: {  	[sflag:s24] =	ssyncset.done $0x0  }
0x7e: {  	s0 =	sadd.s32 $0x2710, s12;
	[sflag:s24] =	ssyncadd.s32 $0xFFFFC000  }
0x7f: {  	[spmem:s1] =	stream.indirect.scatter.add.f32 [tilespmem:s28], [sflag:$0x1], $0x80, s0, s29, $0xb8;
	[tilespmem:$0x1FDB0] =	vst v63  }
0x80: {  	_ =	swait.ge [sflag:s24], $0x4000  }
0x81: {  	s4 =	simm.s32 @p0 $0x4E20;
	[sflag:s24] =	ssyncset.done $0x0  }
0x82: {  	s2 =	simm.s32 @p0 $0x2700;
	s0 =	simm.s32 @p0 $0x10;
	[sflag:s24] =	ssyncadd.s32 $0xFFFFC000  }
0x83: {  	[tilespmem:s4], [sflag:$0x1] =	stream.indirect.gather @p0 [hbm4b:s6+s0], $0x80, s2, s0, $0xb8;
	[tilespmem:$0x1FDB0] =	vst v63  }
0x84: {  	s2 =	simm.s32 @p0 $0x1  }
0x85: {  	_ =	swait.ge @p0 [sflag:s2], $0x800  }
0x86: {  	[sflag:s2] =	ssyncset.done @p0 $0x0  }
0x87: {  	s5 =	simm.s32 @p0 $0x4E10;
	[sflag:s2] =	ssyncadd.s32 @p0 $0xFFFFF800  }
0x88: {  	[spmem:s1] =	stream.indirect.scatter.add.f32 @p0 [tilespmem:s4], [sflag:$0x1], $0x80, s5, s0, $0xb8;
	[tilespmem:$0x1FDB0] =	vst v63  }
0x89: {  	_ =	swait.ge @p0 [sflag:s2], $0x800  }
0x8a: {  	[sflag:s2] =	ssyncset.done @p0 $0x0  }
0x8b: {  	s9 =	stileid.u32;
	[sflag:s2] =	ssyncadd.s32 @p0 $0xFFFFF800  }
0x8c: {  	s0 =	sshll.u32 @p0 s9, $0x6;
	[bflag:$0x0] =	sbarrier.arrive @p0 $0xFFFF  }
0x8d: {  	s4 =	sshrl.u32 @p0 s11, $0x3;
	s0 =	sor.u32 @p0 $0x1C01, s0;
	s5 =	rddreg [dreg:$0x7]  }
0x8e: {  	[hbm:s5], [sflag:s0] =	dma.local @p0 [spmem:s4], $0x2710  }
0x8f: {  	_ =	swait.ge @p0 [sflag:s2], $0x2710  }
0x90: {  	s0 =	simm.s32 @!p0 $0x10;
	[sflag:s2] =	ssyncset.done @p0 $0x0  }
0x91: {  	s4 =	simm.s32 @!p0 $0x1;
	[sflag:s2] =	ssyncadd.s32 @p0 $0xFFFFD8F0;
	s2 =	simm.s32 @!p0 $0x4E10  }
0x92: {  	[spmem:s3] =	stream.indirect.scatter.add.f32 @!p0 [tilespmem:s31], [sflag:$0x1], $0x10, s2, s0, $0xb8;
	[tilespmem:$0x1FDB0] =	vst v63  }
0x93: {  	_ =	swait.ge @!p0 [sflag:s4], $0x100  }
0x94: {  	[sflag:s4] =	ssyncset.done @!p0 $0x0  }
0x95: {  	s7 =	simm.s32 @!p0 $0x4E20;
	s5 =	simm.s32 @!p0 $0x2700;
	[sflag:s4] =	ssyncadd.s32 @!p0 $0xFFFFFF00  }
0x96: {  	[tilespmem:s7], [sflag:$0x1] =	stream.indirect.gather @!p0 [hbm4b:s26+s0], $0x80, s5, s0, $0xb8;
	[tilespmem:$0x1FDB0] =	vst v63  }
0x97: {  	_ =	swait.ge @!p0 [sflag:s4], $0x800  }
0x98: {  	[sflag:s4] =	ssyncset.done @!p0 $0x0  }
0x99: {  	[sflag:s4] =	ssyncadd.s32 @!p0 $0xFFFFF800  }
0x9a: {  	[spmem:s1] =	stream.indirect.scatter.add.f32 @!p0 [tilespmem:s7], [sflag:$0x1], $0x80, s2, s0, $0xb8;
	[tilespmem:$0x1FDB0] =	vst v63  }
0x9b: {  	_ =	swait.ge @!p0 [sflag:s4], $0x800  }
0x9c: {  	[sflag:s4] =	ssyncset.done @!p0 $0x0  }
0x9d: {  	s0 =	sshll.u32 @!p0 s9, $0x6;
	[sflag:s4] =	ssyncadd.s32 @!p0 $0xFFFFF800  }
0x9e: {  	s2 =	sshrl.u32 @!p0 s11, $0x3;
	s0 =	sor.u32 @!p0 $0x1C01, s0;
	[bflag:$0x0] =	sbarrier.arrive @!p0 $0xFFFF  }
0x9f: {  	[hbm:s8], [sflag:s0] =	dma.local @!p0 [spmem:s2], $0x2710  }
0xa0: {  	s30 =	sadd.s32 $0x1, s30;
	_ =	swait.ge @!p0 [sflag:s4], $0x2710  }
0xa1: {  	p1 =	sne.s32 s30, s13;
	[sflag:s4] =	ssyncset.done @!p0 $0x0  }
.Ltmp2:
0xa2: {  	s2 =	rddreg [dreg:$0x8];
	[sflag:s4] =	ssyncadd.s32 @!p0 $0xFFFFD8F0;
	(pc) =	sbr.rel @p1 .LBB2_1-.Ltmp2, $4  }
0xa3: {  	[hbm:s2], [sflag:s0] =	dma.local @!p0 [spmem:s25], $0x4E2  }
0xa4: {  	_ =	swait.ge @!p0 [sflag:s4], $0x4E2  }
0xa5: {  	[sflag:s4] =	ssyncset.done @!p0 $0x0  }
0xa6: {  	s5 =	stileid.u32;
	[sflag:s4] =	ssyncadd.s32 @!p0 $0xFFFFFB1E  }
0xa7: {  	_ =	sfence.sel $0x180000  }
0xa8: {  	[bflag:$0x0] =	sbarrier.arrive $0xFFFF  }
0xa9: {  	_ =	strace $0x90000047  }
0xaa: {  	[bflag:$0x2] =	sbarrier.arrive $0xFFFF  }
0xab: {  	p0 =	sne.s32 s5, $0x0;
	s0 =	rddreg [dreg:$0x4]  }
0xac: {  	s0 =	sadd.s32 @!p0 $0x100000, s0  }
0xad: {  	[sflag:s0] =	ssyncadd.tile.s32 @!p0 $0x1;
	_ =	shalt  }
.Lfunc_end2:
_tile_overlayer_lowered:
.L_overlay_start_2:
0xae: {  	(tag) =	ssettag $0x2  }
0xaf: {  	s0 =	rddreg [dreg:$0x0];
	s2 =	stileid.u32  }
0xb0: {  	s1 =	rddreg [dreg:$0x1];
	p0 =	sne.s32 s2, $0x0  }
0xb1: {  	s3 =	rddreg [dreg:$0x2];
	[bflag:$0x3] =	sbarrier.arrive $0xFFFF;
	s2 =	simm.s32 @!p0 $0x1C01  }
0xb2: {  	[timem:s3], [sflag:s2] =	dma.local @!p0 [hbm:s0], s1  }
0xb3: {  	s0 =	simm.s32 @!p0 $0x1  }
0xb4: {  	_ =	swait.ge @!p0 [sflag:s0], s1  }
0xb5: {  	s1 =	ssub.s32 @!p0 $0x0, s1;
	[sflag:s0] =	ssyncset.done @!p0 $0x0  }
0xb6: {  	[sflag:s0] =	ssyncadd.s32 @!p0 s1  }
0xb7: {  	[bflag:$0x3] =	sbarrier.arrive $0xFFFF  }
0xb8: {  	_ =	shalt  }

</sc_bundles>
